<compile_context>
chip_gen: v7x
topology: tpu7x:2x2x1
jax: 0.10.2.dev20260603
libtpu: 0.0.44.dev20260713+nightly
codegen_flags: <defaults>
</compile_context>

<pallas_src>
import functools

import jax
import jax.numpy as jnp
from jax import lax
from jax.experimental import pallas as pl
from jax.experimental.pallas import tpu as pltpu
from jax.experimental.pallas import tpu_sc as plsc

N_NODES = 10000
N_EDGES = 320000
D_FEAT = 128
HIDDEN = 16

NC, NS = 2, 16
NW = NC * NS
EPW = 10240
NEP = NW * EPW
EPC = 1024
NCHK = EPW // EPC
NBUF = 5
NP = 10240
RPS = NP // NS

_mesh = plsc.VectorSubcoreMesh(core_axis_name="c", subcore_axis_name="s")
_sc_params = pltpu.CompilerParams(use_tc_tiling_on_sc=False)


def _worker_id():
    c = lax.axis_index("c")
    s = lax.axis_index("s")
    return c, s, s * NC + c


@functools.partial(
    pl.kernel,
    out_type=jax.ShapeDtypeStruct((NC, NP), jnp.float32),
    mesh=_mesh,
    scratch_types=[
        pltpu.VMEM((EPW,), jnp.int32),
        pltpu.VMEM((EPC,), jnp.float32),
        pltpu.VMEM_SHARED((NP,), jnp.float32),
        pltpu.SemaphoreType.DMA,
    ],
    compiler_params=_sc_params,
)
def _deg_kernel(ei2_hbm, zd_hbm, out_hbm, didx_v, ones_v, acc_sh, sem):
    c, s, w = _worker_id()

    def fill_ones(i, _):
        ones_v[pl.ds(i * 16, 16)] = jnp.full((16,), 1.0, jnp.float32)
        return 0

    lax.fori_loop(0, EPC // 16, fill_ones, 0)
    pltpu.sync_copy(zd_hbm.at[pl.ds(s * RPS, RPS)],
                    acc_sh.at[pl.ds(s * RPS, RPS)])
    plsc.subcore_barrier()

    pltpu.async_copy(ei2_hbm.at[1, pl.ds(w * EPW, EPW)], didx_v, sem).wait()

    def step(k, _):
        pltpu.sync_copy(ones_v, acc_sh.at[didx_v.at[pl.ds(k * EPC, EPC)]],
                        add=True)
        return 0

    lax.fori_loop(0, NCHK, step, 0)
    plsc.subcore_barrier()
    pltpu.sync_copy(acc_sh.at[pl.ds(s * RPS, RPS)],
                    out_hbm.at[c, pl.ds(s * RPS, RPS)])


@functools.partial(
    pl.kernel,
    out_type=jax.ShapeDtypeStruct((NC, NP, D_FEAT), jnp.float32),
    mesh=_mesh,
    scratch_types=[
        pltpu.VMEM((EPW,), jnp.int32),
        pltpu.VMEM((EPW,), jnp.int32),
        pltpu.VMEM((EPC, HIDDEN), jnp.float32),
        pltpu.VMEM((EPC, HIDDEN), jnp.float32),
        pltpu.VMEM((EPC, HIDDEN), jnp.float32),
        pltpu.VMEM((EPC, HIDDEN), jnp.float32),
        pltpu.VMEM((EPC, HIDDEN), jnp.float32),
        pltpu.VMEM_SHARED((NP, HIDDEN), jnp.float32),
        pltpu.SemaphoreType.DMA,
        pltpu.SemaphoreType.DMA,
        pltpu.SemaphoreType.DMA,
        pltpu.SemaphoreType.DMA,
        pltpu.SemaphoreType.DMA,
        pltpu.SemaphoreType.DMA,
    ],
    compiler_params=_sc_params,
)
def _agg_kernel(g_hbm, ei2_hbm, z_hbm, out_hbm,
                sidx_v, didx_v, b0, b1, b2, b3, b4, acc_sh,
                sem_i, s0, s1, s2, s3, s4):
    c, s, w = _worker_id()
    bufs = (b0, b1, b2, b3, b4)
    sems = (s0, s1, s2, s3, s4)

    pltpu.sync_copy(z_hbm.at[pl.ds(s * RPS, RPS)],
                    acc_sh.at[pl.ds(s * RPS, RPS)])
    plsc.subcore_barrier()

    cp_s = pltpu.async_copy(ei2_hbm.at[0, pl.ds(w * EPW, EPW)], sidx_v, sem_i)
    cp_d = pltpu.async_copy(ei2_hbm.at[1, pl.ds(w * EPW, EPW)], didx_v, sem_i)
    cp_s.wait()
    cp_d.wait()

    for b in range(NBUF):
        pltpu.async_copy(g_hbm.at[sidx_v.at[pl.ds(b * EPC, EPC)]],
                         bufs[b], sems[b])

    def it_body(it, _):
        for b in range(NBUF):
            k = it * NBUF + b
            pltpu.make_async_copy(g_hbm.at[sidx_v.at[pl.ds(k * EPC, EPC)]],
                                  bufs[b], sems[b]).wait()
            pltpu.sync_copy(bufs[b],
                            acc_sh.at[didx_v.at[pl.ds(k * EPC, EPC)]],
                            add=True)

            @pl.when(it < NCHK // NBUF - 1)
            def _():
                pltpu.async_copy(
                    g_hbm.at[sidx_v.at[pl.ds((k + NBUF) * EPC, EPC)]],
                    bufs[b], sems[b])

        return 0

    lax.fori_loop(0, NCHK // NBUF, it_body, 0)

    plsc.subcore_barrier()
    pltpu.sync_copy(acc_sh.at[pl.ds(s * RPS, RPS)],
                    out_hbm.at[c, pl.ds(s * RPS, RPS), pl.ds(0, HIDDEN)])


def _dinv(dp_ref):
    return lax.rsqrt(dp_ref[0, :N_NODES] + dp_ref[1, :N_NODES] + 1.0)


def _tc1a_body(x_ref, w1_ref, xw_ref):
    xw_ref[:, pl.ds(0, HIDDEN)] = jnp.dot(
        x_ref[...], w1_ref[...], preferred_element_type=jnp.float32)


def _tc1b_body(xw_ref, dp_ref, g1_ref):
    g1_ref[:, pl.ds(0, HIDDEN)] = (
        xw_ref[:, :HIDDEN] * _dinv(dp_ref)[:, None])


def _tc2_body(agg_ref, g1_ref, dp_ref, b1_ref, w2_ref, g2_ref):
    dinv = _dinv(dp_ref)
    a = (agg_ref[0, :N_NODES, :HIDDEN] + agg_ref[1, :N_NODES, :HIDDEN]
         + g1_ref[:, :HIDDEN])
    h = jnp.maximum(a * dinv[:, None] + b1_ref[...], 0.0)
    h2 = jnp.dot(h, w2_ref[...], preferred_element_type=jnp.float32)
    g2_ref[:, pl.ds(0, HIDDEN)] = h2 * dinv[:, None]


def _tc3_body(agg_ref, g2_ref, dp_ref, b2_ref, out_ref):
    dinv = _dinv(dp_ref)
    a = (agg_ref[0, :N_NODES, :HIDDEN] + agg_ref[1, :N_NODES, :HIDDEN]
         + g2_ref[:, :HIDDEN])
    o = a * dinv[:, None] + b2_ref[...]
    m = jnp.max(o, axis=1, keepdims=True)
    e = jnp.exp(o - m)
    out_ref[...] = (o - m) - jnp.log(jnp.sum(e, axis=1, keepdims=True))


def _full(*shape):
    return pl.BlockSpec(shape, lambda: (0,) * len(shape))


_G_SPEC = _full(N_NODES, D_FEAT)
_AGG_SPEC = _full(NC, NP, D_FEAT)
_WIDE_F32 = jax.ShapeDtypeStruct((N_NODES, D_FEAT), jnp.float32)


def kernel(x, edge_index, W1, b1, W2, b2):
    ei = edge_index.astype(jnp.int32)
    npad = NEP - N_EDGES
    pad = jnp.arange(npad, dtype=jnp.int32)
    src8 = jnp.concatenate([ei[0] * 8, pad * 8])
    dstp = jnp.concatenate([ei[1], N_NODES + pad % (NP - N_NODES)])
    ei2 = jnp.stack([src8, dstp])
    zd = jnp.zeros((NP,), jnp.float32)
    z = jnp.zeros((NP, HIDDEN), jnp.float32)
    b1r = b1.reshape(1, HIDDEN)
    b2r = b2.reshape(1, HIDDEN)

    dp = _deg_kernel(ei2, zd)
    xw = pl.pallas_call(
        _tc1a_body,
        in_specs=[_full(N_NODES, D_FEAT), _full(D_FEAT, HIDDEN)],
        out_specs=_G_SPEC,
        out_shape=_WIDE_F32,
    )(x, W1)
    g1 = pl.pallas_call(
        _tc1b_body,
        in_specs=[_G_SPEC, _full(NC, NP)],
        out_specs=_G_SPEC,
        out_shape=_WIDE_F32,
    )(xw, dp)
    agg1 = _agg_kernel(g1.reshape(N_NODES * 8, HIDDEN), ei2, z)
    g2 = pl.pallas_call(
        _tc2_body,
        in_specs=[_AGG_SPEC, _G_SPEC, _full(NC, NP), _full(1, HIDDEN),
                  _full(HIDDEN, HIDDEN)],
        out_specs=_G_SPEC,
        out_shape=_WIDE_F32,
    )(agg1, g1, dp, b1r, W2)
    agg2 = _agg_kernel(g2.reshape(N_NODES * 8, HIDDEN), ei2, z)
    out = pl.pallas_call(
        _tc3_body,
        in_specs=[_AGG_SPEC, _G_SPEC, _full(NC, NP), _full(1, HIDDEN)],
        out_shape=jax.ShapeDtypeStruct((N_NODES, HIDDEN), jnp.float32),
    )(agg2, g2, dp, b2r)
    return out

# --- scband reference (transcript-rebuilt; emitter-appended) ---
"""Pipeline reference for scband-net-84507776516642 (READ-ONLY COPY).

The authoritative reference and input builder live on the scoring server;
editing this copy changes nothing except your own understanding.
"""

import jax, jax.numpy as jnp
import numpy as np

N_NODES = 10000
N_EDGES = 320000
D_FEAT = 128
HIDDEN = 16
N_CLASSES = 16


def setup_inputs(seed: int = 0) -> dict:
    key = jax.random.key(seed)
    k1, k2, k3, k4 = jax.random.split(key, 4)
    x = jax.random.normal(k1, (N_NODES, D_FEAT), dtype=jnp.float32)
    edge_index = jax.random.randint(k2, (2, N_EDGES), 0, N_NODES, dtype=jnp.int64)
    # GCN layer parameters (Glorot-style scale)
    W1 = jax.random.normal(k3, (D_FEAT, HIDDEN), dtype=jnp.float32) * (1.0 / np.sqrt(D_FEAT))
    b1 = jnp.zeros((HIDDEN,), dtype=jnp.float32)
    W2 = jax.random.normal(k4, (HIDDEN, N_CLASSES), dtype=jnp.float32) * (1.0 / np.sqrt(HIDDEN))
    b2 = jnp.zeros((N_CLASSES,), dtype=jnp.float32)
    return {"x": x, "edge_index": edge_index, "W1": W1, "b1": b1, "W2": W2, "b2": b2}


def _gcn_layer(x, src, dst, W, b, n):
    # symmetric-normalized GCN message passing with self-loops (GCNLayer_MPNN_2)
    deg = jnp.zeros((n,), dtype=jnp.float32).at[dst].add(1.0)
    dinv = jnp.where(deg > 0, 1.0 / jnp.sqrt(deg), 0.0)
    norm = dinv[src] * dinv[dst]
    h = x @ W
    msg = h[src] * norm[:, None]
    out = jnp.zeros((n, W.shape[1]), dtype=x.dtype).at[dst].add(msg)
    return out + b


def reference(x, edge_index, W1, b1, W2, b2):
    n = x.shape[0]
    loop = jnp.arange(n, dtype=edge_index.dtype)
    src = jnp.concatenate([edge_index[0], loop])
    dst = jnp.concatenate([edge_index[1], loop])
    h = jax.nn.relu(_gcn_layer(x, src, dst, W1, b1, n))
    # dropout is identity in eval mode
    h = _gcn_layer(h, src, dst, W2, b2, n)
    return jax.nn.log_softmax(h, axis=1)

if __name__ == "__main__":
    import jax
    _d = setup_inputs()
    print(jax.jit(kernel)(*tuple(_d.values())))

</pallas_src>

<mosaic_0001>
#map = affine_map<(d0, d1) -> (0, 0)>
#map1 = affine_map<(d0, d1) -> (0, 0, 0)>
module attributes {stable_mosaic.version = 14 : i64} {
  func.func @_agg_kernel(%arg0: i32, %arg1: i32, %arg2: memref<80000x16xf32, #tpu.memory_space<hbm>>, %arg3: memref<2x327680xi32, #tpu.memory_space<hbm>>, %arg4: memref<10240x16xf32, #tpu.memory_space<hbm>>, %arg5: memref<2x10240x128xf32, #tpu.memory_space<hbm>>, %arg6: memref<10240xi32, #tpu.memory_space<vmem>>, %arg7: memref<10240xi32, #tpu.memory_space<vmem>>, %arg8: memref<1024x16xf32, #tpu.memory_space<vmem>>, %arg9: memref<1024x16xf32, #tpu.memory_space<vmem>>, %arg10: memref<1024x16xf32, #tpu.memory_space<vmem>>, %arg11: memref<1024x16xf32, #tpu.memory_space<vmem>>, %arg12: memref<1024x16xf32, #tpu.memory_space<vmem>>, %arg13: memref<10240x16xf32, #tpu.memory_space<vmem_shared>>, %arg14: memref<!tpu.dma_semaphore, #tpu.memory_space<semaphore_mem>>, %arg15: memref<!tpu.dma_semaphore, #tpu.memory_space<semaphore_mem>>, %arg16: memref<!tpu.dma_semaphore, #tpu.memory_space<semaphore_mem>>, %arg17: memref<!tpu.dma_semaphore, #tpu.memory_space<semaphore_mem>>, %arg18: memref<!tpu.dma_semaphore, #tpu.memory_space<semaphore_mem>>, %arg19: memref<!tpu.dma_semaphore, #tpu.memory_space<semaphore_mem>>) attributes {dimension_semantics = [#tpu.dimension_semantics<core_parallel>, #tpu.dimension_semantics<subcore_parallel>], iteration_bounds = array<i64: 2, 16>, scalar_prefetch = 0 : i64, scratch_operands = 14 : i64, tpu.core_type = #tpu.core_type<sc_vector_subcore>, window_params = [{transform_indices = #map}, {transform_indices = #map}, {transform_indices = #map}, {transform_indices = #map1}]} {
    %mul3A = arith.constant 2 : i32
    %mul3A_0 = arith.muli %arg1, %mul3A : i32
    %add3A = arith.addi %mul3A_0, %arg0 : i32
    %mul3A_1 = arith.constant 640 : i32
    %mul3A_2 = arith.muli %arg1, %mul3A_1 : i32
    %mul3A_3 = arith.constant 640 : i32
    %mul3A_4 = arith.muli %arg1, %mul3A_3 : i32
    "tpu.region"() ({
      %run_scoped3A = tpu.sem_alloc : memref<!tpu.dma_semaphore, #tpu.memory_space<semaphore_mem>>
      %dma_start3A_63 = arith.constant 0 : i32
      %dma_start3A_64 = tpu.memref_slice %arg13[%mul3A_4, %dma_start3A_63] : memref<10240x16xf32, #tpu.memory_space<vmem_shared>> -> memref<640x16xf32, #tpu.memory_space<vmem_shared>>
      %dma_start3A_65 = arith.constant 0 : i32
      %dma_start3A_66 = tpu.memref_slice %arg4[%mul3A_2, %dma_start3A_65] : memref<10240x16xf32, #tpu.memory_space<hbm>> -> memref<640x16xf32, #tpu.memory_space<hbm>>
      tpu.enqueue_dma source(%dma_start3A_66 : memref<640x16xf32, #tpu.memory_space<hbm>>) target(%dma_start3A_64 : memref<640x16xf32, #tpu.memory_space<vmem_shared>>) target_semaphore(%run_scoped3A : memref<!tpu.dma_semaphore, #tpu.memory_space<semaphore_mem>>)
      %dma_wait3A_67 = arith.constant 0 : i32
      %dma_wait3A_68 = tpu.memref_slice %arg13[%mul3A_4, %dma_wait3A_67] : memref<10240x16xf32, #tpu.memory_space<vmem_shared>> -> memref<640x16xf32, #tpu.memory_space<vmem_shared>>
      %dma_wait3A_69 = arith.constant 0 : i32
      %dma_wait3A_70 = tpu.memref_slice %arg4[%mul3A_2, %dma_wait3A_69] : memref<10240x16xf32, #tpu.memory_space<hbm>> -> memref<640x16xf32, #tpu.memory_space<hbm>>
      tpu.wait_dma2 semaphore(%run_scoped3A : memref<!tpu.dma_semaphore, #tpu.memory_space<semaphore_mem>>) src(%dma_wait3A_70 : memref<640x16xf32, #tpu.memory_space<hbm>>) dst(%dma_wait3A_68 : memref<640x16xf32, #tpu.memory_space<vmem_shared>>)
      tpu.yield
    }) : () -> ()
    %barrier3A = arith.constant 0 : index
    tpu.barrier barrier_id(%barrier3A)
    %mul3A_5 = arith.constant 10240 : i32
    %mul3A_6 = arith.muli %add3A, %mul3A_5 : i32
    %dma_start3A = arith.constant 0 : i32
    %dma_start3A_7 = tpu.memref_slice %arg3[%dma_start3A, %mul3A_6] : memref<2x327680xi32, #tpu.memory_space<hbm>> -> memref<1x10240xi32, #tpu.memory_space<hbm>>
    %dma_start3A_8 = tpu.memref_squeeze %dma_start3A_7 : memref<1x10240xi32, #tpu.memory_space<hbm>> -> memref<10240xi32, #tpu.memory_space<hbm>>
    %dma_start3A_9 = tpu.memref_slice %arg3[%dma_start3A, %mul3A_6] : memref<2x327680xi32, #tpu.memory_space<hbm>> -> memref<1x10240xi32, #tpu.memory_space<hbm>>
    %dma_start3A_10 = tpu.memref_squeeze %dma_start3A_9 : memref<1x10240xi32, #tpu.memory_space<hbm>> -> memref<10240xi32, #tpu.memory_space<hbm>>
    tpu.enqueue_dma source(%dma_start3A_10 : memref<10240xi32, #tpu.memory_space<hbm>>) target(%arg6 : memref<10240xi32, #tpu.memory_space<vmem>>) target_semaphore(%arg14 : memref<!tpu.dma_semaphore, #tpu.memory_space<semaphore_mem>>)
    %mul3A_11 = arith.constant 10240 : i32
    %mul3A_12 = arith.muli %add3A, %mul3A_11 : i32
    %dma_start3A_13 = arith.constant 1 : i32
    %dma_start3A_14 = tpu.memref_slice %arg3[%dma_start3A_13, %mul3A_12] : memref<2x327680xi32, #tpu.memory_space<hbm>> -> memref<1x10240xi32, #tpu.memory_space<hbm>>
    %dma_start3A_15 = tpu.memref_squeeze %dma_start3A_14 : memref<1x10240xi32, #tpu.memory_space<hbm>> -> memref<10240xi32, #tpu.memory_space<hbm>>
    %dma_start3A_16 = tpu.memref_slice %arg3[%dma_start3A_13, %mul3A_12] : memref<2x327680xi32, #tpu.memory_space<hbm>> -> memref<1x10240xi32, #tpu.memory_space<hbm>>
    %dma_start3A_17 = tpu.memref_squeeze %dma_start3A_16 : memref<1x10240xi32, #tpu.memory_space<hbm>> -> memref<10240xi32, #tpu.memory_space<hbm>>
    tpu.enqueue_dma source(%dma_start3A_17 : memref<10240xi32, #tpu.memory_space<hbm>>) target(%arg7 : memref<10240xi32, #tpu.memory_space<vmem>>) target_semaphore(%arg14 : memref<!tpu.dma_semaphore, #tpu.memory_space<semaphore_mem>>)
    %dma_wait3A = arith.constant 0 : i32
    %dma_wait3A_18 = tpu.memref_slice %arg3[%dma_wait3A, %mul3A_6] : memref<2x327680xi32, #tpu.memory_space<hbm>> -> memref<1x10240xi32, #tpu.memory_space<hbm>>
    %dma_wait3A_19 = tpu.memref_squeeze %dma_wait3A_18 : memref<1x10240xi32, #tpu.memory_space<hbm>> -> memref<10240xi32, #tpu.memory_space<hbm>>
    %dma_wait3A_20 = tpu.memref_slice %arg3[%dma_wait3A, %mul3A_6] : memref<2x327680xi32, #tpu.memory_space<hbm>> -> memref<1x10240xi32, #tpu.memory_space<hbm>>
    %dma_wait3A_21 = tpu.memref_squeeze %dma_wait3A_20 : memref<1x10240xi32, #tpu.memory_space<hbm>> -> memref<10240xi32, #tpu.memory_space<hbm>>
    tpu.wait_dma2 semaphore(%arg14 : memref<!tpu.dma_semaphore, #tpu.memory_space<semaphore_mem>>) src(%dma_wait3A_21 : memref<10240xi32, #tpu.memory_space<hbm>>) dst(%arg6 : memref<10240xi32, #tpu.memory_space<vmem>>)
    %dma_wait3A_22 = arith.constant 1 : i32
    %dma_wait3A_23 = tpu.memref_slice %arg3[%dma_wait3A_22, %mul3A_12] : memref<2x327680xi32, #tpu.memory_space<hbm>> -> memref<1x10240xi32, #tpu.memory_space<hbm>>
    %dma_wait3A_24 = tpu.memref_squeeze %dma_wait3A_23 : memref<1x10240xi32, #tpu.memory_space<hbm>> -> memref<10240xi32, #tpu.memory_space<hbm>>
    %dma_wait3A_25 = tpu.memref_slice %arg3[%dma_wait3A_22, %mul3A_12] : memref<2x327680xi32, #tpu.memory_space<hbm>> -> memref<1x10240xi32, #tpu.memory_space<hbm>>
    %dma_wait3A_26 = tpu.memref_squeeze %dma_wait3A_25 : memref<1x10240xi32, #tpu.memory_space<hbm>> -> memref<10240xi32, #tpu.memory_space<hbm>>
    tpu.wait_dma2 semaphore(%arg14 : memref<!tpu.dma_semaphore, #tpu.memory_space<semaphore_mem>>) src(%dma_wait3A_26 : memref<10240xi32, #tpu.memory_space<hbm>>) dst(%arg7 : memref<10240xi32, #tpu.memory_space<vmem>>)
    %dma_start3A_27 = arith.constant 0 : i32
    %dma_start3A_28 = tpu.memref_slice %arg6[%dma_start3A_27] : memref<10240xi32, #tpu.memory_space<vmem>> -> memref<1024xi32, #tpu.memory_space<vmem>>
    %dma_start3A_29 = arith.constant 0 : i32
    %dma_start3A_30 = arith.constant 0 : i32
    %dma_start3A_31 = tpu.memref_slice %arg2[%dma_start3A_29, %dma_start3A_30] : memref<80000x16xf32, #tpu.memory_space<hbm>> -> memref<80000x16xf32, #tpu.memory_space<hbm>>
    tpu.enqueue_indirect_dma source(%dma_start3A_31 : memref<80000x16xf32, #tpu.memory_space<hbm>>) target(%arg8 : memref<1024x16xf32, #tpu.memory_space<vmem>>) offsets(%dma_start3A_28 : memref<1024xi32, #tpu.memory_space<vmem>>) semaphore(%arg15 : memref<!tpu.dma_semaphore, #tpu.memory_space<semaphore_mem>>)
    %dma_start3A_32 = arith.constant 1024 : i32
    %dma_start3A_33 = tpu.memref_slice %arg6[%dma_start3A_32] : memref<10240xi32, #tpu.memory_space<vmem>> -> memref<1024xi32, #tpu.memory_space<vmem>>
    %dma_start3A_34 = arith.constant 0 : i32
    %dma_start3A_35 = arith.constant 0 : i32
    %dma_start3A_36 = tpu.memref_slice %arg2[%dma_start3A_34, %dma_start3A_35] : memref<80000x16xf32, #tpu.memory_space<hbm>> -> memref<80000x16xf32, #tpu.memory_space<hbm>>
    tpu.enqueue_indirect_dma source(%dma_start3A_36 : memref<80000x16xf32, #tpu.memory_space<hbm>>) target(%arg9 : memref<1024x16xf32, #tpu.memory_space<vmem>>) offsets(%dma_start3A_33 : memref<1024xi32, #tpu.memory_space<vmem>>) semaphore(%arg16 : memref<!tpu.dma_semaphore, #tpu.memory_space<semaphore_mem>>)
    %dma_start3A_37 = arith.constant 2048 : i32
    %dma_start3A_38 = tpu.memref_slice %arg6[%dma_start3A_37] : memref<10240xi32, #tpu.memory_space<vmem>> -> memref<1024xi32, #tpu.memory_space<vmem>>
    %dma_start3A_39 = arith.constant 0 : i32
    %dma_start3A_40 = arith.constant 0 : i32
    %dma_start3A_41 = tpu.memref_slice %arg2[%dma_start3A_39, %dma_start3A_40] : memref<80000x16xf32, #tpu.memory_space<hbm>> -> memref<80000x16xf32, #tpu.memory_space<hbm>>
    tpu.enqueue_indirect_dma source(%dma_start3A_41 : memref<80000x16xf32, #tpu.memory_space<hbm>>) target(%arg10 : memref<1024x16xf32, #tpu.memory_space<vmem>>) offsets(%dma_start3A_38 : memref<1024xi32, #tpu.memory_space<vmem>>) semaphore(%arg17 : memref<!tpu.dma_semaphore, #tpu.memory_space<semaphore_mem>>)
    %dma_start3A_42 = arith.constant 3072 : i32
    %dma_start3A_43 = tpu.memref_slice %arg6[%dma_start3A_42] : memref<10240xi32, #tpu.memory_space<vmem>> -> memref<1024xi32, #tpu.memory_space<vmem>>
    %dma_start3A_44 = arith.constant 0 : i32
    %dma_start3A_45 = arith.constant 0 : i32
    %dma_start3A_46 = tpu.memref_slice %arg2[%dma_start3A_44, %dma_start3A_45] : memref<80000x16xf32, #tpu.memory_space<hbm>> -> memref<80000x16xf32, #tpu.memory_space<hbm>>
    tpu.enqueue_indirect_dma source(%dma_start3A_46 : memref<80000x16xf32, #tpu.memory_space<hbm>>) target(%arg11 : memref<1024x16xf32, #tpu.memory_space<vmem>>) offsets(%dma_start3A_43 : memref<1024xi32, #tpu.memory_space<vmem>>) semaphore(%arg18 : memref<!tpu.dma_semaphore, #tpu.memory_space<semaphore_mem>>)
    %dma_start3A_47 = arith.constant 4096 : i32
    %dma_start3A_48 = tpu.memref_slice %arg6[%dma_start3A_47] : memref<10240xi32, #tpu.memory_space<vmem>> -> memref<1024xi32, #tpu.memory_space<vmem>>
    %dma_start3A_49 = arith.constant 0 : i32
    %dma_start3A_50 = arith.constant 0 : i32
    %dma_start3A_51 = tpu.memref_slice %arg2[%dma_start3A_49, %dma_start3A_50] : memref<80000x16xf32, #tpu.memory_space<hbm>> -> memref<80000x16xf32, #tpu.memory_space<hbm>>
    tpu.enqueue_indirect_dma source(%dma_start3A_51 : memref<80000x16xf32, #tpu.memory_space<hbm>>) target(%arg12 : memref<1024x16xf32, #tpu.memory_space<vmem>>) offsets(%dma_start3A_48 : memref<1024xi32, #tpu.memory_space<vmem>>) semaphore(%arg19 : memref<!tpu.dma_semaphore, #tpu.memory_space<semaphore_mem>>)
    %scan3A = arith.constant 0 : i32
    %scan3A_52 = arith.constant 0 : i32
    %scan3A_53 = arith.constant 2 : i32
    %scan3A_54 = arith.addi %scan3A_52, %scan3A_53 : i32
    %scan3A_55 = arith.constant 1 : i32
    %scan3A_56 = scf.for %scan3A_63 = %scan3A_52 to %scan3A_54 step %scan3A_55 iter_args(%scan3A_64 = %scan3A) -> (i32)  : i32 {
      %mul3A_65 = arith.constant 5 : i32
      %mul3A_66 = arith.muli %scan3A_63, %mul3A_65 : i32
      %add3A_67 = arith.constant 0 : i32
      %add3A_68 = arith.addi %mul3A_66, %add3A_67 : i32
      %mul3A_69 = arith.constant 1024 : i32
      %mul3A_70 = arith.muli %add3A_68, %mul3A_69 : i32
      %dma_wait3A_71 = tpu.memref_slice %arg6[%mul3A_70] : memref<10240xi32, #tpu.memory_space<vmem>> -> memref<1024xi32, #tpu.memory_space<vmem>>
      %dma_wait3A_72 = arith.constant 0 : i32
      %dma_wait3A_73 = arith.constant 0 : i32
      %dma_wait3A_74 = tpu.memref_slice %arg2[%dma_wait3A_72, %dma_wait3A_73] : memref<80000x16xf32, #tpu.memory_space<hbm>> -> memref<80000x16xf32, #tpu.memory_space<hbm>>
      tpu.wait_indirect_dma semaphore(%arg15 : memref<!tpu.dma_semaphore, #tpu.memory_space<semaphore_mem>>) src(%dma_wait3A_74 : memref<80000x16xf32, #tpu.memory_space<hbm>>) dst(%arg8 : memref<1024x16xf32, #tpu.memory_space<vmem>>)
      %mul3A_75 = arith.constant 1024 : i32
      %mul3A_76 = arith.muli %add3A_68, %mul3A_75 : i32
      "tpu.region"() ({
        %run_scoped3A = tpu.sem_alloc : memref<!tpu.dma_semaphore, #tpu.memory_space<semaphore_mem>>
        %dma_start3A_148 = tpu.memref_slice %arg7[%mul3A_76] : memref<10240xi32, #tpu.memory_space<vmem>> -> memref<1024xi32, #tpu.memory_space<vmem>>
        %dma_start3A_149 = arith.constant 0 : i32
        %dma_start3A_150 = arith.constant 0 : i32
        %dma_start3A_151 = tpu.memref_slice %arg13[%dma_start3A_149, %dma_start3A_150] : memref<10240x16xf32, #tpu.memory_space<vmem_shared>> -> memref<10240x16xf32, #tpu.memory_space<vmem_shared>>
        tpu.enqueue_indirect_dma source(%arg8 : memref<1024x16xf32, #tpu.memory_space<vmem>>) target(%dma_start3A_151 : memref<10240x16xf32, #tpu.memory_space<vmem_shared>>) offsets(%dma_start3A_148 : memref<1024xi32, #tpu.memory_space<vmem>>) semaphore(%run_scoped3A : memref<!tpu.dma_semaphore, #tpu.memory_space<semaphore_mem>>) {add = true}
        %dma_wait3A_152 = tpu.memref_slice %arg7[%mul3A_76] : memref<10240xi32, #tpu.memory_space<vmem>> -> memref<1024xi32, #tpu.memory_space<vmem>>
        %dma_wait3A_153 = arith.constant 0 : i32
        %dma_wait3A_154 = arith.constant 0 : i32
        %dma_wait3A_155 = tpu.memref_slice %arg13[%dma_wait3A_153, %dma_wait3A_154] : memref<10240x16xf32, #tpu.memory_space<vmem_shared>> -> memref<10240x16xf32, #tpu.memory_space<vmem_shared>>
        tpu.wait_indirect_dma semaphore(%run_scoped3A : memref<!tpu.dma_semaphore, #tpu.memory_space<semaphore_mem>>) src(%arg8 : memref<1024x16xf32, #tpu.memory_space<vmem>>) dst(%dma_wait3A_155 : memref<10240x16xf32, #tpu.memory_space<vmem_shared>>)
        tpu.yield
      }) : () -> ()
      %lt3A = arith.constant 1 : i32
      %lt3A_77 = arith.cmpi slt, %scan3A_63, %lt3A : i32
      %convert_element_type3A = arith.extui %lt3A_77 : i1 to i32
      %cond3A = arith.constant 0 : i32
      %cond3A_78 = arith.cmpi ne, %convert_element_type3A, %cond3A : i32
      scf.if %cond3A_78 {
        %add3A_148 = arith.constant 5 : i32
        %add3A_149 = arith.addi %add3A_68, %add3A_148 : i32
        %mul3A_150 = arith.constant 1024 : i32
        %mul3A_151 = arith.muli %add3A_149, %mul3A_150 : i32
        %dma_start3A_152 = tpu.memref_slice %arg6[%mul3A_151] : memref<10240xi32, #tpu.memory_space<vmem>> -> memref<1024xi32, #tpu.memory_space<vmem>>
        %dma_start3A_153 = arith.constant 0 : i32
        %dma_start3A_154 = arith.constant 0 : i32
        %dma_start3A_155 = tpu.memref_slice %arg2[%dma_start3A_153, %dma_start3A_154] : memref<80000x16xf32, #tpu.memory_space<hbm>> -> memref<80000x16xf32, #tpu.memory_space<hbm>>
        tpu.enqueue_indirect_dma source(%dma_start3A_155 : memref<80000x16xf32, #tpu.memory_space<hbm>>) target(%arg8 : memref<1024x16xf32, #tpu.memory_space<vmem>>) offsets(%dma_start3A_152 : memref<1024xi32, #tpu.memory_space<vmem>>) semaphore(%arg15 : memref<!tpu.dma_semaphore, #tpu.memory_space<semaphore_mem>>)
      } else {
      }
      %mul3A_79 = arith.constant 5 : i32
      %mul3A_80 = arith.muli %scan3A_63, %mul3A_79 : i32
      %add3A_81 = arith.constant 1 : i32
      %add3A_82 = arith.addi %mul3A_80, %add3A_81 : i32
      %mul3A_83 = arith.constant 1024 : i32
      %mul3A_84 = arith.muli %add3A_82, %mul3A_83 : i32
      %dma_wait3A_85 = tpu.memref_slice %arg6[%mul3A_84] : memref<10240xi32, #tpu.memory_space<vmem>> -> memref<1024xi32, #tpu.memory_space<vmem>>
      %dma_wait3A_86 = arith.constant 0 : i32
      %dma_wait3A_87 = arith.constant 0 : i32
      %dma_wait3A_88 = tpu.memref_slice %arg2[%dma_wait3A_86, %dma_wait3A_87] : memref<80000x16xf32, #tpu.memory_space<hbm>> -> memref<80000x16xf32, #tpu.memory_space<hbm>>
      tpu.wait_indirect_dma semaphore(%arg16 : memref<!tpu.dma_semaphore, #tpu.memory_space<semaphore_mem>>) src(%dma_wait3A_88 : memref<80000x16xf32, #tpu.memory_space<hbm>>) dst(%arg9 : memref<1024x16xf32, #tpu.memory_space<vmem>>)
      %mul3A_89 = arith.constant 1024 : i32
      %mul3A_90 = arith.muli %add3A_82, %mul3A_89 : i32
      "tpu.region"() ({
        %run_scoped3A = tpu.sem_alloc : memref<!tpu.dma_semaphore, #tpu.memory_space<semaphore_mem>>
        %dma_start3A_148 = tpu.memref_slice %arg7[%mul3A_90] : memref<10240xi32, #tpu.memory_space<vmem>> -> memref<1024xi32, #tpu.memory_space<vmem>>
        %dma_start3A_149 = arith.constant 0 : i32
        %dma_start3A_150 = arith.constant 0 : i32
        %dma_start3A_151 = tpu.memref_slice %arg13[%dma_start3A_149, %dma_start3A_150] : memref<10240x16xf32, #tpu.memory_space<vmem_shared>> -> memref<10240x16xf32, #tpu.memory_space<vmem_shared>>
        tpu.enqueue_indirect_dma source(%arg9 : memref<1024x16xf32, #tpu.memory_space<vmem>>) target(%dma_start3A_151 : memref<10240x16xf32, #tpu.memory_space<vmem_shared>>) offsets(%dma_start3A_148 : memref<1024xi32, #tpu.memory_space<vmem>>) semaphore(%run_scoped3A : memref<!tpu.dma_semaphore, #tpu.memory_space<semaphore_mem>>) {add = true}
        %dma_wait3A_152 = tpu.memref_slice %arg7[%mul3A_90] : memref<10240xi32, #tpu.memory_space<vmem>> -> memref<1024xi32, #tpu.memory_space<vmem>>
        %dma_wait3A_153 = arith.constant 0 : i32
        %dma_wait3A_154 = arith.constant 0 : i32
        %dma_wait3A_155 = tpu.memref_slice %arg13[%dma_wait3A_153, %dma_wait3A_154] : memref<10240x16xf32, #tpu.memory_space<vmem_shared>> -> memref<10240x16xf32, #tpu.memory_space<vmem_shared>>
        tpu.wait_indirect_dma semaphore(%run_scoped3A : memref<!tpu.dma_semaphore, #tpu.memory_space<semaphore_mem>>) src(%arg9 : memref<1024x16xf32, #tpu.memory_space<vmem>>) dst(%dma_wait3A_155 : memref<10240x16xf32, #tpu.memory_space<vmem_shared>>)
        tpu.yield
      }) : () -> ()
      %lt3A_91 = arith.constant 1 : i32
      %lt3A_92 = arith.cmpi slt, %scan3A_63, %lt3A_91 : i32
      %convert_element_type3A_93 = arith.extui %lt3A_92 : i1 to i32
      %cond3A_94 = arith.constant 0 : i32
      %cond3A_95 = arith.cmpi ne, %convert_element_type3A_93, %cond3A_94 : i32
      scf.if %cond3A_95 {
        %add3A_148 = arith.constant 5 : i32
        %add3A_149 = arith.addi %add3A_82, %add3A_148 : i32
        %mul3A_150 = arith.constant 1024 : i32
        %mul3A_151 = arith.muli %add3A_149, %mul3A_150 : i32
        %dma_start3A_152 = tpu.memref_slice %arg6[%mul3A_151] : memref<10240xi32, #tpu.memory_space<vmem>> -> memref<1024xi32, #tpu.memory_space<vmem>>
        %dma_start3A_153 = arith.constant 0 : i32
        %dma_start3A_154 = arith.constant 0 : i32
        %dma_start3A_155 = tpu.memref_slice %arg2[%dma_start3A_153, %dma_start3A_154] : memref<80000x16xf32, #tpu.memory_space<hbm>> -> memref<80000x16xf32, #tpu.memory_space<hbm>>
        tpu.enqueue_indirect_dma source(%dma_start3A_155 : memref<80000x16xf32, #tpu.memory_space<hbm>>) target(%arg9 : memref<1024x16xf32, #tpu.memory_space<vmem>>) offsets(%dma_start3A_152 : memref<1024xi32, #tpu.memory_space<vmem>>) semaphore(%arg16 : memref<!tpu.dma_semaphore, #tpu.memory_space<semaphore_mem>>)
      } else {
      }
      %mul3A_96 = arith.constant 5 : i32
      %mul3A_97 = arith.muli %scan3A_63, %mul3A_96 : i32
      %add3A_98 = arith.constant 2 : i32
      %add3A_99 = arith.addi %mul3A_97, %add3A_98 : i32
      %mul3A_100 = arith.constant 1024 : i32
      %mul3A_101 = arith.muli %add3A_99, %mul3A_100 : i32
      %dma_wait3A_102 = tpu.memref_slice %arg6[%mul3A_101] : memref<10240xi32, #tpu.memory_space<vmem>> -> memref<1024xi32, #tpu.memory_space<vmem>>
      %dma_wait3A_103 = arith.constant 0 : i32
      %dma_wait3A_104 = arith.constant 0 : i32
      %dma_wait3A_105 = tpu.memref_slice %arg2[%dma_wait3A_103, %dma_wait3A_104] : memref<80000x16xf32, #tpu.memory_space<hbm>> -> memref<80000x16xf32, #tpu.memory_space<hbm>>
      tpu.wait_indirect_dma semaphore(%arg17 : memref<!tpu.dma_semaphore, #tpu.memory_space<semaphore_mem>>) src(%dma_wait3A_105 : memref<80000x16xf32, #tpu.memory_space<hbm>>) dst(%arg10 : memref<1024x16xf32, #tpu.memory_space<vmem>>)
      %mul3A_106 = arith.constant 1024 : i32
      %mul3A_107 = arith.muli %add3A_99, %mul3A_106 : i32
      "tpu.region"() ({
        %run_scoped3A = tpu.sem_alloc : memref<!tpu.dma_semaphore, #tpu.memory_space<semaphore_mem>>
        %dma_start3A_148 = tpu.memref_slice %arg7[%mul3A_107] : memref<10240xi32, #tpu.memory_space<vmem>> -> memref<1024xi32, #tpu.memory_space<vmem>>
        %dma_start3A_149 = arith.constant 0 : i32
        %dma_start3A_150 = arith.constant 0 : i32
        %dma_start3A_151 = tpu.memref_slice %arg13[%dma_start3A_149, %dma_start3A_150] : memref<10240x16xf32, #tpu.memory_space<vmem_shared>> -> memref<10240x16xf32, #tpu.memory_space<vmem_shared>>
        tpu.enqueue_indirect_dma source(%arg10 : memref<1024x16xf32, #tpu.memory_space<vmem>>) target(%dma_start3A_151 : memref<10240x16xf32, #tpu.memory_space<vmem_shared>>) offsets(%dma_start3A_148 : memref<1024xi32, #tpu.memory_space<vmem>>) semaphore(%run_scoped3A : memref<!tpu.dma_semaphore, #tpu.memory_space<semaphore_mem>>) {add = true}
        %dma_wait3A_152 = tpu.memref_slice %arg7[%mul3A_107] : memref<10240xi32, #tpu.memory_space<vmem>> -> memref<1024xi32, #tpu.memory_space<vmem>>
        %dma_wait3A_153 = arith.constant 0 : i32
        %dma_wait3A_154 = arith.constant 0 : i32
        %dma_wait3A_155 = tpu.memref_slice %arg13[%dma_wait3A_153, %dma_wait3A_154] : memref<10240x16xf32, #tpu.memory_space<vmem_shared>> -> memref<10240x16xf32, #tpu.memory_space<vmem_shared>>
        tpu.wait_indirect_dma semaphore(%run_scoped3A : memref<!tpu.dma_semaphore, #tpu.memory_space<semaphore_mem>>) src(%arg10 : memref<1024x16xf32, #tpu.memory_space<vmem>>) dst(%dma_wait3A_155 : memref<10240x16xf32, #tpu.memory_space<vmem_shared>>)
        tpu.yield
      }) : () -> ()
      %lt3A_108 = arith.constant 1 : i32
      %lt3A_109 = arith.cmpi slt, %scan3A_63, %lt3A_108 : i32
      %convert_element_type3A_110 = arith.extui %lt3A_109 : i1 to i32
      %cond3A_111 = arith.constant 0 : i32
      %cond3A_112 = arith.cmpi ne, %convert_element_type3A_110, %cond3A_111 : i32
      scf.if %cond3A_112 {
        %add3A_148 = arith.constant 5 : i32
        %add3A_149 = arith.addi %add3A_99, %add3A_148 : i32
        %mul3A_150 = arith.constant 1024 : i32
        %mul3A_151 = arith.muli %add3A_149, %mul3A_150 : i32
        %dma_start3A_152 = tpu.memref_slice %arg6[%mul3A_151] : memref<10240xi32, #tpu.memory_space<vmem>> -> memref<1024xi32, #tpu.memory_space<vmem>>
        %dma_start3A_153 = arith.constant 0 : i32
        %dma_start3A_154 = arith.constant 0 : i32
        %dma_start3A_155 = tpu.memref_slice %arg2[%dma_start3A_153, %dma_start3A_154] : memref<80000x16xf32, #tpu.memory_space<hbm>> -> memref<80000x16xf32, #tpu.memory_space<hbm>>
        tpu.enqueue_indirect_dma source(%dma_start3A_155 : memref<80000x16xf32, #tpu.memory_space<hbm>>) target(%arg10 : memref<1024x16xf32, #tpu.memory_space<vmem>>) offsets(%dma_start3A_152 : memref<1024xi32, #tpu.memory_space<vmem>>) semaphore(%arg17 : memref<!tpu.dma_semaphore, #tpu.memory_space<semaphore_mem>>)
      } else {
      }
      %mul3A_113 = arith.constant 5 : i32
      %mul3A_114 = arith.muli %scan3A_63, %mul3A_113 : i32
      %add3A_115 = arith.constant 3 : i32
      %add3A_116 = arith.addi %mul3A_114, %add3A_115 : i32
      %mul3A_117 = arith.constant 1024 : i32
      %mul3A_118 = arith.muli %add3A_116, %mul3A_117 : i32
      %dma_wait3A_119 = tpu.memref_slice %arg6[%mul3A_118] : memref<10240xi32, #tpu.memory_space<vmem>> -> memref<1024xi32, #tpu.memory_space<vmem>>
      %dma_wait3A_120 = arith.constant 0 : i32
      %dma_wait3A_121 = arith.constant 0 : i32
      %dma_wait3A_122 = tpu.memref_slice %arg2[%dma_wait3A_120, %dma_wait3A_121] : memref<80000x16xf32, #tpu.memory_space<hbm>> -> memref<80000x16xf32, #tpu.memory_space<hbm>>
      tpu.wait_indirect_dma semaphore(%arg18 : memref<!tpu.dma_semaphore, #tpu.memory_space<semaphore_mem>>) src(%dma_wait3A_122 : memref<80000x16xf32, #tpu.memory_space<hbm>>) dst(%arg11 : memref<1024x16xf32, #tpu.memory_space<vmem>>)
      %mul3A_123 = arith.constant 1024 : i32
      %mul3A_124 = arith.muli %add3A_116, %mul3A_123 : i32
      "tpu.region"() ({
        %run_scoped3A = tpu.sem_alloc : memref<!tpu.dma_semaphore, #tpu.memory_space<semaphore_mem>>
        %dma_start3A_148 = tpu.memref_slice %arg7[%mul3A_124] : memref<10240xi32, #tpu.memory_space<vmem>> -> memref<1024xi32, #tpu.memory_space<vmem>>
        %dma_start3A_149 = arith.constant 0 : i32
        %dma_start3A_150 = arith.constant 0 : i32
        %dma_start3A_151 = tpu.memref_slice %arg13[%dma_start3A_149, %dma_start3A_150] : memref<10240x16xf32, #tpu.memory_space<vmem_shared>> -> memref<10240x16xf32, #tpu.memory_space<vmem_shared>>
        tpu.enqueue_indirect_dma source(%arg11 : memref<1024x16xf32, #tpu.memory_space<vmem>>) target(%dma_start3A_151 : memref<10240x16xf32, #tpu.memory_space<vmem_shared>>) offsets(%dma_start3A_148 : memref<1024xi32, #tpu.memory_space<vmem>>) semaphore(%run_scoped3A : memref<!tpu.dma_semaphore, #tpu.memory_space<semaphore_mem>>) {add = true}
        %dma_wait3A_152 = tpu.memref_slice %arg7[%mul3A_124] : memref<10240xi32, #tpu.memory_space<vmem>> -> memref<1024xi32, #tpu.memory_space<vmem>>
        %dma_wait3A_153 = arith.constant 0 : i32
        %dma_wait3A_154 = arith.constant 0 : i32
        %dma_wait3A_155 = tpu.memref_slice %arg13[%dma_wait3A_153, %dma_wait3A_154] : memref<10240x16xf32, #tpu.memory_space<vmem_shared>> -> memref<10240x16xf32, #tpu.memory_space<vmem_shared>>
        tpu.wait_indirect_dma semaphore(%run_scoped3A : memref<!tpu.dma_semaphore, #tpu.memory_space<semaphore_mem>>) src(%arg11 : memref<1024x16xf32, #tpu.memory_space<vmem>>) dst(%dma_wait3A_155 : memref<10240x16xf32, #tpu.memory_space<vmem_shared>>)
        tpu.yield
      }) : () -> ()
      %lt3A_125 = arith.constant 1 : i32
      %lt3A_126 = arith.cmpi slt, %scan3A_63, %lt3A_125 : i32
      %convert_element_type3A_127 = arith.extui %lt3A_126 : i1 to i32
      %cond3A_128 = arith.constant 0 : i32
      %cond3A_129 = arith.cmpi ne, %convert_element_type3A_127, %cond3A_128 : i32
      scf.if %cond3A_129 {
        %add3A_148 = arith.constant 5 : i32
        %add3A_149 = arith.addi %add3A_116, %add3A_148 : i32
        %mul3A_150 = arith.constant 1024 : i32
        %mul3A_151 = arith.muli %add3A_149, %mul3A_150 : i32
        %dma_start3A_152 = tpu.memref_slice %arg6[%mul3A_151] : memref<10240xi32, #tpu.memory_space<vmem>> -> memref<1024xi32, #tpu.memory_space<vmem>>
        %dma_start3A_153 = arith.constant 0 : i32
        %dma_start3A_154 = arith.constant 0 : i32
        %dma_start3A_155 = tpu.memref_slice %arg2[%dma_start3A_153, %dma_start3A_154] : memref<80000x16xf32, #tpu.memory_space<hbm>> -> memref<80000x16xf32, #tpu.memory_space<hbm>>
        tpu.enqueue_indirect_dma source(%dma_start3A_155 : memref<80000x16xf32, #tpu.memory_space<hbm>>) target(%arg11 : memref<1024x16xf32, #tpu.memory_space<vmem>>) offsets(%dma_start3A_152 : memref<1024xi32, #tpu.memory_space<vmem>>) semaphore(%arg18 : memref<!tpu.dma_semaphore, #tpu.memory_space<semaphore_mem>>)
      } else {
      }
      %mul3A_130 = arith.constant 5 : i32
      %mul3A_131 = arith.muli %scan3A_63, %mul3A_130 : i32
      %add3A_132 = arith.constant 4 : i32
      %add3A_133 = arith.addi %mul3A_131, %add3A_132 : i32
      %mul3A_134 = arith.constant 1024 : i32
      %mul3A_135 = arith.muli %add3A_133, %mul3A_134 : i32
      %dma_wait3A_136 = tpu.memref_slice %arg6[%mul3A_135] : memref<10240xi32, #tpu.memory_space<vmem>> -> memref<1024xi32, #tpu.memory_space<vmem>>
      %dma_wait3A_137 = arith.constant 0 : i32
      %dma_wait3A_138 = arith.constant 0 : i32
      %dma_wait3A_139 = tpu.memref_slice %arg2[%dma_wait3A_137, %dma_wait3A_138] : memref<80000x16xf32, #tpu.memory_space<hbm>> -> memref<80000x16xf32, #tpu.memory_space<hbm>>
      tpu.wait_indirect_dma semaphore(%arg19 : memref<!tpu.dma_semaphore, #tpu.memory_space<semaphore_mem>>) src(%dma_wait3A_139 : memref<80000x16xf32, #tpu.memory_space<hbm>>) dst(%arg12 : memref<1024x16xf32, #tpu.memory_space<vmem>>)
      %mul3A_140 = arith.constant 1024 : i32
      %mul3A_141 = arith.muli %add3A_133, %mul3A_140 : i32
      "tpu.region"() ({
        %run_scoped3A = tpu.sem_alloc : memref<!tpu.dma_semaphore, #tpu.memory_space<semaphore_mem>>
        %dma_start3A_148 = tpu.memref_slice %arg7[%mul3A_141] : memref<10240xi32, #tpu.memory_space<vmem>> -> memref<1024xi32, #tpu.memory_space<vmem>>
        %dma_start3A_149 = arith.constant 0 : i32
        %dma_start3A_150 = arith.constant 0 : i32
        %dma_start3A_151 = tpu.memref_slice %arg13[%dma_start3A_149, %dma_start3A_150] : memref<10240x16xf32, #tpu.memory_space<vmem_shared>> -> memref<10240x16xf32, #tpu.memory_space<vmem_shared>>
        tpu.enqueue_indirect_dma source(%arg12 : memref<1024x16xf32, #tpu.memory_space<vmem>>) target(%dma_start3A_151 : memref<10240x16xf32, #tpu.memory_space<vmem_shared>>) offsets(%dma_start3A_148 : memref<1024xi32, #tpu.memory_space<vmem>>) semaphore(%run_scoped3A : memref<!tpu.dma_semaphore, #tpu.memory_space<semaphore_mem>>) {add = true}
        %dma_wait3A_152 = tpu.memref_slice %arg7[%mul3A_141] : memref<10240xi32, #tpu.memory_space<vmem>> -> memref<1024xi32, #tpu.memory_space<vmem>>
        %dma_wait3A_153 = arith.constant 0 : i32
        %dma_wait3A_154 = arith.constant 0 : i32
        %dma_wait3A_155 = tpu.memref_slice %arg13[%dma_wait3A_153, %dma_wait3A_154] : memref<10240x16xf32, #tpu.memory_space<vmem_shared>> -> memref<10240x16xf32, #tpu.memory_space<vmem_shared>>
        tpu.wait_indirect_dma semaphore(%run_scoped3A : memref<!tpu.dma_semaphore, #tpu.memory_space<semaphore_mem>>) src(%arg12 : memref<1024x16xf32, #tpu.memory_space<vmem>>) dst(%dma_wait3A_155 : memref<10240x16xf32, #tpu.memory_space<vmem_shared>>)
        tpu.yield
      }) : () -> ()
      %lt3A_142 = arith.constant 1 : i32
      %lt3A_143 = arith.cmpi slt, %scan3A_63, %lt3A_142 : i32
      %convert_element_type3A_144 = arith.extui %lt3A_143 : i1 to i32
      %cond3A_145 = arith.constant 0 : i32
      %cond3A_146 = arith.cmpi ne, %convert_element_type3A_144, %cond3A_145 : i32
      scf.if %cond3A_146 {
        %add3A_148 = arith.constant 5 : i32
        %add3A_149 = arith.addi %add3A_133, %add3A_148 : i32
        %mul3A_150 = arith.constant 1024 : i32
        %mul3A_151 = arith.muli %add3A_149, %mul3A_150 : i32
        %dma_start3A_152 = tpu.memref_slice %arg6[%mul3A_151] : memref<10240xi32, #tpu.memory_space<vmem>> -> memref<1024xi32, #tpu.memory_space<vmem>>
        %dma_start3A_153 = arith.constant 0 : i32
        %dma_start3A_154 = arith.constant 0 : i32
        %dma_start3A_155 = tpu.memref_slice %arg2[%dma_start3A_153, %dma_start3A_154] : memref<80000x16xf32, #tpu.memory_space<hbm>> -> memref<80000x16xf32, #tpu.memory_space<hbm>>
        tpu.enqueue_indirect_dma source(%dma_start3A_155 : memref<80000x16xf32, #tpu.memory_space<hbm>>) target(%arg12 : memref<1024x16xf32, #tpu.memory_space<vmem>>) offsets(%dma_start3A_152 : memref<1024xi32, #tpu.memory_space<vmem>>) semaphore(%arg19 : memref<!tpu.dma_semaphore, #tpu.memory_space<semaphore_mem>>)
      } else {
      }
      %scan3A_147 = arith.constant 0 : i32
      scf.yield %scan3A_147 : i32
    }
    %scan3A_57 = arith.constant 2 : i32
    %barrier3A_58 = arith.constant 0 : index
    tpu.barrier barrier_id(%barrier3A_58)
    %mul3A_59 = arith.constant 640 : i32
    %mul3A_60 = arith.muli %arg1, %mul3A_59 : i32
    %mul3A_61 = arith.constant 640 : i32
    %mul3A_62 = arith.muli %arg1, %mul3A_61 : i32
    "tpu.region"() ({
      %run_scoped3A = tpu.sem_alloc : memref<!tpu.dma_semaphore, #tpu.memory_space<semaphore_mem>>
      %dma_start3A_63 = arith.constant 0 : i32
      %dma_start3A_64 = tpu.memref_slice %arg5[%arg0, %mul3A_62, %dma_start3A_63] : memref<2x10240x128xf32, #tpu.memory_space<hbm>> -> memref<1x640x16xf32, #tpu.memory_space<hbm>>
      %dma_start3A_65 = tpu.memref_squeeze %dma_start3A_64 : memref<1x640x16xf32, #tpu.memory_space<hbm>> -> memref<640x16xf32, #tpu.memory_space<hbm>>
      %dma_start3A_66 = arith.constant 0 : i32
      %dma_start3A_67 = tpu.memref_slice %arg13[%mul3A_60, %dma_start3A_66] : memref<10240x16xf32, #tpu.memory_space<vmem_shared>> -> memref<640x16xf32, #tpu.memory_space<vmem_shared>>
      tpu.enqueue_dma source(%dma_start3A_67 : memref<640x16xf32, #tpu.memory_space<vmem_shared>>) target(%dma_start3A_65 : memref<640x16xf32, #tpu.memory_space<hbm>>) target_semaphore(%run_scoped3A : memref<!tpu.dma_semaphore, #tpu.memory_space<semaphore_mem>>)
      %dma_wait3A_68 = arith.constant 0 : i32
      %dma_wait3A_69 = tpu.memref_slice %arg5[%arg0, %mul3A_62, %dma_wait3A_68] : memref<2x10240x128xf32, #tpu.memory_space<hbm>> -> memref<1x640x16xf32, #tpu.memory_space<hbm>>
      %dma_wait3A_70 = tpu.memref_squeeze %dma_wait3A_69 : memref<1x640x16xf32, #tpu.memory_space<hbm>> -> memref<640x16xf32, #tpu.memory_space<hbm>>
      %dma_wait3A_71 = arith.constant 0 : i32
      %dma_wait3A_72 = tpu.memref_slice %arg13[%mul3A_60, %dma_wait3A_71] : memref<10240x16xf32, #tpu.memory_space<vmem_shared>> -> memref<640x16xf32, #tpu.memory_space<vmem_shared>>
      tpu.wait_dma2 semaphore(%run_scoped3A : memref<!tpu.dma_semaphore, #tpu.memory_space<semaphore_mem>>) src(%dma_wait3A_72 : memref<640x16xf32, #tpu.memory_space<vmem_shared>>) dst(%dma_wait3A_70 : memref<640x16xf32, #tpu.memory_space<hbm>>)
      tpu.yield
    }) : () -> ()
    return
  }
}

#map = affine_map<(d0, d1) -> (0, 0)>
#map1 = affine_map<(d0, d1) -> (0, 0, 0)>
module attributes {stable_mosaic.version = 14 : i64} {
  func.func @_agg_kernel(%arg0: i32, %arg1: i32, %arg2: memref<80000x16xf32, #tpu.memory_space<hbm>>, %arg3: memref<2x327680xi32, #tpu.memory_space<hbm>>, %arg4: memref<10240x16xf32, #tpu.memory_space<hbm>>, %arg5: memref<2x10240x128xf32, #tpu.memory_space<hbm>>, %arg6: memref<10240xi32, #tpu.memory_space<vmem>>, %arg7: memref<10240xi32, #tpu.memory_space<vmem>>, %arg8: memref<1024x16xf32, #tpu.memory_space<vmem>>, %arg9: memref<1024x16xf32, #tpu.memory_space<vmem>>, %arg10: memref<1024x16xf32, #tpu.memory_space<vmem>>, %arg11: memref<1024x16xf32, #tpu.memory_space<vmem>>, %arg12: memref<1024x16xf32, #tpu.memory_space<vmem>>, %arg13: memref<10240x16xf32, #tpu.memory_space<vmem_shared>>, %arg14: memref<!tpu.dma_semaphore, #tpu.memory_space<semaphore_mem>>, %arg15: memref<!tpu.dma_semaphore, #tpu.memory_space<semaphore_mem>>, %arg16: memref<!tpu.dma_semaphore, #tpu.memory_space<semaphore_mem>>, %arg17: memref<!tpu.dma_semaphore, #tpu.memory_space<semaphore_mem>>, %arg18: memref<!tpu.dma_semaphore, #tpu.memory_space<semaphore_mem>>, %arg19: memref<!tpu.dma_semaphore, #tpu.memory_space<semaphore_mem>>) attributes {dimension_semantics = [#tpu.dimension_semantics<core_parallel>, #tpu.dimension_semantics<subcore_parallel>], iteration_bounds = array<i64: 2, 16>, scalar_prefetch = 0 : i64, scratch_operands = 14 : i64, tpu.core_type = #tpu.core_type<sc_vector_subcore>, window_params = [{transform_indices = #map}, {transform_indices = #map}, {transform_indices = #map}, {transform_indices = #map1}]} {
    %mul3A = arith.constant 2 : i32
    %mul3A_0 = arith.muli %arg1, %mul3A : i32
    %add3A = arith.addi %mul3A_0, %arg0 : i32
    %mul3A_1 = arith.constant 640 : i32
    %mul3A_2 = arith.muli %arg1, %mul3A_1 : i32
    %mul3A_3 = arith.constant 640 : i32
    %mul3A_4 = arith.muli %arg1, %mul3A_3 : i32
    "tpu.region"() ({
      %run_scoped3A = tpu.sem_alloc : memref<!tpu.dma_semaphore, #tpu.memory_space<semaphore_mem>>
      %dma_start3A_63 = arith.constant 0 : i32
      %dma_start3A_64 = tpu.memref_slice %arg13[%mul3A_4, %dma_start3A_63] : memref<10240x16xf32, #tpu.memory_space<vmem_shared>> -> memref<640x16xf32, #tpu.memory_space<vmem_shared>>
      %dma_start3A_65 = arith.constant 0 : i32
      %dma_start3A_66 = tpu.memref_slice %arg4[%mul3A_2, %dma_start3A_65] : memref<10240x16xf32, #tpu.memory_space<hbm>> -> memref<640x16xf32, #tpu.memory_space<hbm>>
      tpu.enqueue_dma source(%dma_start3A_66 : memref<640x16xf32, #tpu.memory_space<hbm>>) target(%dma_start3A_64 : memref<640x16xf32, #tpu.memory_space<vmem_shared>>) target_semaphore(%run_scoped3A : memref<!tpu.dma_semaphore, #tpu.memory_space<semaphore_mem>>)
      %dma_wait3A_67 = arith.constant 0 : i32
      %dma_wait3A_68 = tpu.memref_slice %arg13[%mul3A_4, %dma_wait3A_67] : memref<10240x16xf32, #tpu.memory_space<vmem_shared>> -> memref<640x16xf32, #tpu.memory_space<vmem_shared>>
      %dma_wait3A_69 = arith.constant 0 : i32
      %dma_wait3A_70 = tpu.memref_slice %arg4[%mul3A_2, %dma_wait3A_69] : memref<10240x16xf32, #tpu.memory_space<hbm>> -> memref<640x16xf32, #tpu.memory_space<hbm>>
      tpu.wait_dma2 semaphore(%run_scoped3A : memref<!tpu.dma_semaphore, #tpu.memory_space<semaphore_mem>>) src(%dma_wait3A_70 : memref<640x16xf32, #tpu.memory_space<hbm>>) dst(%dma_wait3A_68 : memref<640x16xf32, #tpu.memory_space<vmem_shared>>)
      tpu.yield
    }) : () -> ()
    %barrier3A = arith.constant 0 : index
    tpu.barrier barrier_id(%barrier3A)
    %mul3A_5 = arith.constant 10240 : i32
    %mul3A_6 = arith.muli %add3A, %mul3A_5 : i32
    %dma_start3A = arith.constant 0 : i32
    %dma_start3A_7 = tpu.memref_slice %arg3[%dma_start3A, %mul3A_6] : memref<2x327680xi32, #tpu.memory_space<hbm>> -> memref<1x10240xi32, #tpu.memory_space<hbm>>
    %dma_start3A_8 = tpu.memref_squeeze %dma_start3A_7 : memref<1x10240xi32, #tpu.memory_space<hbm>> -> memref<10240xi32, #tpu.memory_space<hbm>>
    %dma_start3A_9 = tpu.memref_slice %arg3[%dma_start3A, %mul3A_6] : memref<2x327680xi32, #tpu.memory_space<hbm>> -> memref<1x10240xi32, #tpu.memory_space<hbm>>
    %dma_start3A_10 = tpu.memref_squeeze %dma_start3A_9 : memref<1x10240xi32, #tpu.memory_space<hbm>> -> memref<10240xi32, #tpu.memory_space<hbm>>
    tpu.enqueue_dma source(%dma_start3A_10 : memref<10240xi32, #tpu.memory_space<hbm>>) target(%arg6 : memref<10240xi32, #tpu.memory_space<vmem>>) target_semaphore(%arg14 : memref<!tpu.dma_semaphore, #tpu.memory_space<semaphore_mem>>)
    %mul3A_11 = arith.constant 10240 : i32
    %mul3A_12 = arith.muli %add3A, %mul3A_11 : i32
    %dma_start3A_13 = arith.constant 1 : i32
    %dma_start3A_14 = tpu.memref_slice %arg3[%dma_start3A_13, %mul3A_12] : memref<2x327680xi32, #tpu.memory_space<hbm>> -> memref<1x10240xi32, #tpu.memory_space<hbm>>
    %dma_start3A_15 = tpu.memref_squeeze %dma_start3A_14 : memref<1x10240xi32, #tpu.memory_space<hbm>> -> memref<10240xi32, #tpu.memory_space<hbm>>
    %dma_start3A_16 = tpu.memref_slice %arg3[%dma_start3A_13, %mul3A_12] : memref<2x327680xi32, #tpu.memory_space<hbm>> -> memref<1x10240xi32, #tpu.memory_space<hbm>>
    %dma_start3A_17 = tpu.memref_squeeze %dma_start3A_16 : memref<1x10240xi32, #tpu.memory_space<hbm>> -> memref<10240xi32, #tpu.memory_space<hbm>>
    tpu.enqueue_dma source(%dma_start3A_17 : memref<10240xi32, #tpu.memory_space<hbm>>) target(%arg7 : memref<10240xi32, #tpu.memory_space<vmem>>) target_semaphore(%arg14 : memref<!tpu.dma_semaphore, #tpu.memory_space<semaphore_mem>>)
    %dma_wait3A = arith.constant 0 : i32
    %dma_wait3A_18 = tpu.memref_slice %arg3[%dma_wait3A, %mul3A_6] : memref<2x327680xi32, #tpu.memory_space<hbm>> -> memref<1x10240xi32, #tpu.memory_space<hbm>>
    %dma_wait3A_19 = tpu.memref_squeeze %dma_wait3A_18 : memref<1x10240xi32, #tpu.memory_space<hbm>> -> memref<10240xi32, #tpu.memory_space<hbm>>
    %dma_wait3A_20 = tpu.memref_slice %arg3[%dma_wait3A, %mul3A_6] : memref<2x327680xi32, #tpu.memory_space<hbm>> -> memref<1x10240xi32, #tpu.memory_space<hbm>>
    %dma_wait3A_21 = tpu.memref_squeeze %dma_wait3A_20 : memref<1x10240xi32, #tpu.memory_space<hbm>> -> memref<10240xi32, #tpu.memory_space<hbm>>
    tpu.wait_dma2 semaphore(%arg14 : memref<!tpu.dma_semaphore, #tpu.memory_space<semaphore_mem>>) src(%dma_wait3A_21 : memref<10240xi32, #tpu.memory_space<hbm>>) dst(%arg6 : memref<10240xi32, #tpu.memory_space<vmem>>)
    %dma_wait3A_22 = arith.constant 1 : i32
    %dma_wait3A_23 = tpu.memref_slice %arg3[%dma_wait3A_22, %mul3A_12] : memref<2x327680xi32, #tpu.memory_space<hbm>> -> memref<1x10240xi32, #tpu.memory_space<hbm>>
    %dma_wait3A_24 = tpu.memref_squeeze %dma_wait3A_23 : memref<1x10240xi32, #tpu.memory_space<hbm>> -> memref<10240xi32, #tpu.memory_space<hbm>>
    %dma_wait3A_25 = tpu.memref_slice %arg3[%dma_wait3A_22, %mul3A_12] : memref<2x327680xi32, #tpu.memory_space<hbm>> -> memref<1x10240xi32, #tpu.memory_space<hbm>>
    %dma_wait3A_26 = tpu.memref_squeeze %dma_wait3A_25 : memref<1x10240xi32, #tpu.memory_space<hbm>> -> memref<10240xi32, #tpu.memory_space<hbm>>
    tpu.wait_dma2 semaphore(%arg14 : memref<!tpu.dma_semaphore, #tpu.memory_space<semaphore_mem>>) src(%dma_wait3A_26 : memref<10240xi32, #tpu.memory_space<hbm>>) dst(%arg7 : memref<10240xi32, #tpu.memory_space<vmem>>)
    %dma_start3A_27 = arith.constant 0 : i32
    %dma_start3A_28 = tpu.memref_slice %arg6[%dma_start3A_27] : memref<10240xi32, #tpu.memory_space<vmem>> -> memref<1024xi32, #tpu.memory_space<vmem>>
    %dma_start3A_29 = arith.constant 0 : i32
    %dma_start3A_30 = arith.constant 0 : i32
    %dma_start3A_31 = tpu.memref_slice %arg2[%dma_start3A_29, %dma_start3A_30] : memref<80000x16xf32, #tpu.memory_space<hbm>> -> memref<80000x16xf32, #tpu.memory_space<hbm>>
    tpu.enqueue_indirect_dma source(%dma_start3A_31 : memref<80000x16xf32, #tpu.memory_space<hbm>>) target(%arg8 : memref<1024x16xf32, #tpu.memory_space<vmem>>) offsets(%dma_start3A_28 : memref<1024xi32, #tpu.memory_space<vmem>>) semaphore(%arg15 : memref<!tpu.dma_semaphore, #tpu.memory_space<semaphore_mem>>)
    %dma_start3A_32 = arith.constant 1024 : i32
    %dma_start3A_33 = tpu.memref_slice %arg6[%dma_start3A_32] : memref<10240xi32, #tpu.memory_space<vmem>> -> memref<1024xi32, #tpu.memory_space<vmem>>
    %dma_start3A_34 = arith.constant 0 : i32
    %dma_start3A_35 = arith.constant 0 : i32
    %dma_start3A_36 = tpu.memref_slice %arg2[%dma_start3A_34, %dma_start3A_35] : memref<80000x16xf32, #tpu.memory_space<hbm>> -> memref<80000x16xf32, #tpu.memory_space<hbm>>
    tpu.enqueue_indirect_dma source(%dma_start3A_36 : memref<80000x16xf32, #tpu.memory_space<hbm>>) target(%arg9 : memref<1024x16xf32, #tpu.memory_space<vmem>>) offsets(%dma_start3A_33 : memref<1024xi32, #tpu.memory_space<vmem>>) semaphore(%arg16 : memref<!tpu.dma_semaphore, #tpu.memory_space<semaphore_mem>>)
    %dma_start3A_37 = arith.constant 2048 : i32
    %dma_start3A_38 = tpu.memref_slice %arg6[%dma_start3A_37] : memref<10240xi32, #tpu.memory_space<vmem>> -> memref<1024xi32, #tpu.memory_space<vmem>>
    %dma_start3A_39 = arith.constant 0 : i32
    %dma_start3A_40 = arith.constant 0 : i32
    %dma_start3A_41 = tpu.memref_slice %arg2[%dma_start3A_39, %dma_start3A_40] : memref<80000x16xf32, #tpu.memory_space<hbm>> -> memref<80000x16xf32, #tpu.memory_space<hbm>>
    tpu.enqueue_indirect_dma source(%dma_start3A_41 : memref<80000x16xf32, #tpu.memory_space<hbm>>) target(%arg10 : memref<1024x16xf32, #tpu.memory_space<vmem>>) offsets(%dma_start3A_38 : memref<1024xi32, #tpu.memory_space<vmem>>) semaphore(%arg17 : memref<!tpu.dma_semaphore, #tpu.memory_space<semaphore_mem>>)
    %dma_start3A_42 = arith.constant 3072 : i32
    %dma_start3A_43 = tpu.memref_slice %arg6[%dma_start3A_42] : memref<10240xi32, #tpu.memory_space<vmem>> -> memref<1024xi32, #tpu.memory_space<vmem>>
    %dma_start3A_44 = arith.constant 0 : i32
    %dma_start3A_45 = arith.constant 0 : i32
    %dma_start3A_46 = tpu.memref_slice %arg2[%dma_start3A_44, %dma_start3A_45] : memref<80000x16xf32, #tpu.memory_space<hbm>> -> memref<80000x16xf32, #tpu.memory_space<hbm>>
    tpu.enqueue_indirect_dma source(%dma_start3A_46 : memref<80000x16xf32, #tpu.memory_space<hbm>>) target(%arg11 : memref<1024x16xf32, #tpu.memory_space<vmem>>) offsets(%dma_start3A_43 : memref<1024xi32, #tpu.memory_space<vmem>>) semaphore(%arg18 : memref<!tpu.dma_semaphore, #tpu.memory_space<semaphore_mem>>)
    %dma_start3A_47 = arith.constant 4096 : i32
    %dma_start3A_48 = tpu.memref_slice %arg6[%dma_start3A_47] : memref<10240xi32, #tpu.memory_space<vmem>> -> memref<1024xi32, #tpu.memory_space<vmem>>
    %dma_start3A_49 = arith.constant 0 : i32
    %dma_start3A_50 = arith.constant 0 : i32
    %dma_start3A_51 = tpu.memref_slice %arg2[%dma_start3A_49, %dma_start3A_50] : memref<80000x16xf32, #tpu.memory_space<hbm>> -> memref<80000x16xf32, #tpu.memory_space<hbm>>
    tpu.enqueue_indirect_dma source(%dma_start3A_51 : memref<80000x16xf32, #tpu.memory_space<hbm>>) target(%arg12 : memref<1024x16xf32, #tpu.memory_space<vmem>>) offsets(%dma_start3A_48 : memref<1024xi32, #tpu.memory_space<vmem>>) semaphore(%arg19 : memref<!tpu.dma_semaphore, #tpu.memory_space<semaphore_mem>>)
    %scan3A = arith.constant 0 : i32
    %scan3A_52 = arith.constant 0 : i32
    %scan3A_53 = arith.constant 2 : i32
    %scan3A_54 = arith.addi %scan3A_52, %scan3A_53 : i32
    %scan3A_55 = arith.constant 1 : i32
    %scan3A_56 = scf.for %scan3A_63 = %scan3A_52 to %scan3A_54 step %scan3A_55 iter_args(%scan3A_64 = %scan3A) -> (i32)  : i32 {
      %mul3A_65 = arith.constant 5 : i32
      %mul3A_66 = arith.muli %scan3A_63, %mul3A_65 : i32
      %add3A_67 = arith.constant 0 : i32
      %add3A_68 = arith.addi %mul3A_66, %add3A_67 : i32
      %mul3A_69 = arith.constant 1024 : i32
      %mul3A_70 = arith.muli %add3A_68, %mul3A_69 : i32
      %dma_wait3A_71 = tpu.memref_slice %arg6[%mul3A_70] : memref<10240xi32, #tpu.memory_space<vmem>> -> memref<1024xi32, #tpu.memory_space<vmem>>
      %dma_wait3A_72 = arith.constant 0 : i32
      %dma_wait3A_73 = arith.constant 0 : i32
      %dma_wait3A_74 = tpu.memref_slice %arg2[%dma_wait3A_72, %dma_wait3A_73] : memref<80000x16xf32, #tpu.memory_space<hbm>> -> memref<80000x16xf32, #tpu.memory_space<hbm>>
      tpu.wait_indirect_dma semaphore(%arg15 : memref<!tpu.dma_semaphore, #tpu.memory_space<semaphore_mem>>) src(%dma_wait3A_74 : memref<80000x16xf32, #tpu.memory_space<hbm>>) dst(%arg8 : memref<1024x16xf32, #tpu.memory_space<vmem>>)
      %mul3A_75 = arith.constant 1024 : i32
      %mul3A_76 = arith.muli %add3A_68, %mul3A_75 : i32
      "tpu.region"() ({
        %run_scoped3A = tpu.sem_alloc : memref<!tpu.dma_semaphore, #tpu.memory_space<semaphore_mem>>
        %dma_start3A_148 = tpu.memref_slice %arg7[%mul3A_76] : memref<10240xi32, #tpu.memory_space<vmem>> -> memref<1024xi32, #tpu.memory_space<vmem>>
        %dma_start3A_149 = arith.constant 0 : i32
        %dma_start3A_150 = arith.constant 0 : i32
        %dma_start3A_151 = tpu.memref_slice %arg13[%dma_start3A_149, %dma_start3A_150] : memref<10240x16xf32, #tpu.memory_space<vmem_shared>> -> memref<10240x16xf32, #tpu.memory_space<vmem_shared>>
        tpu.enqueue_indirect_dma source(%arg8 : memref<1024x16xf32, #tpu.memory_space<vmem>>) target(%dma_start3A_151 : memref<10240x16xf32, #tpu.memory_space<vmem_shared>>) offsets(%dma_start3A_148 : memref<1024xi32, #tpu.memory_space<vmem>>) semaphore(%run_scoped3A : memref<!tpu.dma_semaphore, #tpu.memory_space<semaphore_mem>>) {add = true}
        %dma_wait3A_152 = tpu.memref_slice %arg7[%mul3A_76] : memref<10240xi32, #tpu.memory_space<vmem>> -> memref<1024xi32, #tpu.memory_space<vmem>>
        %dma_wait3A_153 = arith.constant 0 : i32
        %dma_wait3A_154 = arith.constant 0 : i32
        %dma_wait3A_155 = tpu.memref_slice %arg13[%dma_wait3A_153, %dma_wait3A_154] : memref<10240x16xf32, #tpu.memory_space<vmem_shared>> -> memref<10240x16xf32, #tpu.memory_space<vmem_shared>>
        tpu.wait_indirect_dma semaphore(%run_scoped3A : memref<!tpu.dma_semaphore, #tpu.memory_space<semaphore_mem>>) src(%arg8 : memref<1024x16xf32, #tpu.memory_space<vmem>>) dst(%dma_wait3A_155 : memref<10240x16xf32, #tpu.memory_space<vmem_shared>>)
        tpu.yield
      }) : () -> ()
      %lt3A = arith.constant 1 : i32
      %lt3A_77 = arith.cmpi slt, %scan3A_63, %lt3A : i32
      %convert_element_type3A = arith.extui %lt3A_77 : i1 to i32
      %cond3A = arith.constant 0 : i32
      %cond3A_78 = arith.cmpi ne, %convert_element_type3A, %cond3A : i32
      scf.if %cond3A_78 {
        %add3A_148 = arith.constant 5 : i32
        %add3A_149 = arith.addi %add3A_68, %add3A_148 : i32
        %mul3A_150 = arith.constant 1024 : i32
        %mul3A_151 = arith.muli %add3A_149, %mul3A_150 : i32
        %dma_start3A_152 = tpu.memref_slice %arg6[%mul3A_151] : memref<10240xi32, #tpu.memory_space<vmem>> -> memref<1024xi32, #tpu.memory_space<vmem>>
        %dma_start3A_153 = arith.constant 0 : i32
        %dma_start3A_154 = arith.constant 0 : i32
        %dma_start3A_155 = tpu.memref_slice %arg2[%dma_start3A_153, %dma_start3A_154] : memref<80000x16xf32, #tpu.memory_space<hbm>> -> memref<80000x16xf32, #tpu.memory_space<hbm>>
        tpu.enqueue_indirect_dma source(%dma_start3A_155 : memref<80000x16xf32, #tpu.memory_space<hbm>>) target(%arg8 : memref<1024x16xf32, #tpu.memory_space<vmem>>) offsets(%dma_start3A_152 : memref<1024xi32, #tpu.memory_space<vmem>>) semaphore(%arg15 : memref<!tpu.dma_semaphore, #tpu.memory_space<semaphore_mem>>)
      } else {
      }
      %mul3A_79 = arith.constant 5 : i32
      %mul3A_80 = arith.muli %scan3A_63, %mul3A_79 : i32
      %add3A_81 = arith.constant 1 : i32
      %add3A_82 = arith.addi %mul3A_80, %add3A_81 : i32
      %mul3A_83 = arith.constant 1024 : i32
      %mul3A_84 = arith.muli %add3A_82, %mul3A_83 : i32
      %dma_wait3A_85 = tpu.memref_slice %arg6[%mul3A_84] : memref<10240xi32, #tpu.memory_space<vmem>> -> memref<1024xi32, #tpu.memory_space<vmem>>
      %dma_wait3A_86 = arith.constant 0 : i32
      %dma_wait3A_87 = arith.constant 0 : i32
      %dma_wait3A_88 = tpu.memref_slice %arg2[%dma_wait3A_86, %dma_wait3A_87] : memref<80000x16xf32, #tpu.memory_space<hbm>> -> memref<80000x16xf32, #tpu.memory_space<hbm>>
      tpu.wait_indirect_dma semaphore(%arg16 : memref<!tpu.dma_semaphore, #tpu.memory_space<semaphore_mem>>) src(%dma_wait3A_88 : memref<80000x16xf32, #tpu.memory_space<hbm>>) dst(%arg9 : memref<1024x16xf32, #tpu.memory_space<vmem>>)
      %mul3A_89 = arith.constant 1024 : i32
      %mul3A_90 = arith.muli %add3A_82, %mul3A_89 : i32
      "tpu.region"() ({
        %run_scoped3A = tpu.sem_alloc : memref<!tpu.dma_semaphore, #tpu.memory_space<semaphore_mem>>
        %dma_start3A_148 = tpu.memref_slice %arg7[%mul3A_90] : memref<10240xi32, #tpu.memory_space<vmem>> -> memref<1024xi32, #tpu.memory_space<vmem>>
        %dma_start3A_149 = arith.constant 0 : i32
        %dma_start3A_150 = arith.constant 0 : i32
        %dma_start3A_151 = tpu.memref_slice %arg13[%dma_start3A_149, %dma_start3A_150] : memref<10240x16xf32, #tpu.memory_space<vmem_shared>> -> memref<10240x16xf32, #tpu.memory_space<vmem_shared>>
        tpu.enqueue_indirect_dma source(%arg9 : memref<1024x16xf32, #tpu.memory_space<vmem>>) target(%dma_start3A_151 : memref<10240x16xf32, #tpu.memory_space<vmem_shared>>) offsets(%dma_start3A_148 : memref<1024xi32, #tpu.memory_space<vmem>>) semaphore(%run_scoped3A : memref<!tpu.dma_semaphore, #tpu.memory_space<semaphore_mem>>) {add = true}
        %dma_wait3A_152 = tpu.memref_slice %arg7[%mul3A_90] : memref<10240xi32, #tpu.memory_space<vmem>> -> memref<1024xi32, #tpu.memory_space<vmem>>
        %dma_wait3A_153 = arith.constant 0 : i32
        %dma_wait3A_154 = arith.constant 0 : i32
        %dma_wait3A_155 = tpu.memref_slice %arg13[%dma_wait3A_153, %dma_wait3A_154] : memref<10240x16xf32, #tpu.memory_space<vmem_shared>> -> memref<10240x16xf32, #tpu.memory_space<vmem_shared>>
        tpu.wait_indirect_dma semaphore(%run_scoped3A : memref<!tpu.dma_semaphore, #tpu.memory_space<semaphore_mem>>) src(%arg9 : memref<1024x16xf32, #tpu.memory_space<vmem>>) dst(%dma_wait3A_155 : memref<10240x16xf32, #tpu.memory_space<vmem_shared>>)
        tpu.yield
      }) : () -> ()
      %lt3A_91 = arith.constant 1 : i32
      %lt3A_92 = arith.cmpi slt, %scan3A_63, %lt3A_91 : i32
      %convert_element_type3A_93 = arith.extui %lt3A_92 : i1 to i32
      %cond3A_94 = arith.constant 0 : i32
      %cond3A_95 = arith.cmpi ne, %convert_element_type3A_93, %cond3A_94 : i32
      scf.if %cond3A_95 {
        %add3A_148 = arith.constant 5 : i32
        %add3A_149 = arith.addi %add3A_82, %add3A_148 : i32
        %mul3A_150 = arith.constant 1024 : i32
        %mul3A_151 = arith.muli %add3A_149, %mul3A_150 : i32
        %dma_start3A_152 = tpu.memref_slice %arg6[%mul3A_151] : memref<10240xi32, #tpu.memory_space<vmem>> -> memref<1024xi32, #tpu.memory_space<vmem>>
        %dma_start3A_153 = arith.constant 0 : i32
        %dma_start3A_154 = arith.constant 0 : i32
        %dma_start3A_155 = tpu.memref_slice %arg2[%dma_start3A_153, %dma_start3A_154] : memref<80000x16xf32, #tpu.memory_space<hbm>> -> memref<80000x16xf32, #tpu.memory_space<hbm>>
        tpu.enqueue_indirect_dma source(%dma_start3A_155 : memref<80000x16xf32, #tpu.memory_space<hbm>>) target(%arg9 : memref<1024x16xf32, #tpu.memory_space<vmem>>) offsets(%dma_start3A_152 : memref<1024xi32, #tpu.memory_space<vmem>>) semaphore(%arg16 : memref<!tpu.dma_semaphore, #tpu.memory_space<semaphore_mem>>)
      } else {
      }
      %mul3A_96 = arith.constant 5 : i32
      %mul3A_97 = arith.muli %scan3A_63, %mul3A_96 : i32
      %add3A_98 = arith.constant 2 : i32
      %add3A_99 = arith.addi %mul3A_97, %add3A_98 : i32
      %mul3A_100 = arith.constant 1024 : i32
      %mul3A_101 = arith.muli %add3A_99, %mul3A_100 : i32
      %dma_wait3A_102 = tpu.memref_slice %arg6[%mul3A_101] : memref<10240xi32, #tpu.memory_space<vmem>> -> memref<1024xi32, #tpu.memory_space<vmem>>
      %dma_wait3A_103 = arith.constant 0 : i32
      %dma_wait3A_104 = arith.constant 0 : i32
      %dma_wait3A_105 = tpu.memref_slice %arg2[%dma_wait3A_103, %dma_wait3A_104] : memref<80000x16xf32, #tpu.memory_space<hbm>> -> memref<80000x16xf32, #tpu.memory_space<hbm>>
      tpu.wait_indirect_dma semaphore(%arg17 : memref<!tpu.dma_semaphore, #tpu.memory_space<semaphore_mem>>) src(%dma_wait3A_105 : memref<80000x16xf32, #tpu.memory_space<hbm>>) dst(%arg10 : memref<1024x16xf32, #tpu.memory_space<vmem>>)
      %mul3A_106 = arith.constant 1024 : i32
      %mul3A_107 = arith.muli %add3A_99, %mul3A_106 : i32
      "tpu.region"() ({
        %run_scoped3A = tpu.sem_alloc : memref<!tpu.dma_semaphore, #tpu.memory_space<semaphore_mem>>
        %dma_start3A_148 = tpu.memref_slice %arg7[%mul3A_107] : memref<10240xi32, #tpu.memory_space<vmem>> -> memref<1024xi32, #tpu.memory_space<vmem>>
        %dma_start3A_149 = arith.constant 0 : i32
        %dma_start3A_150 = arith.constant 0 : i32
        %dma_start3A_151 = tpu.memref_slice %arg13[%dma_start3A_149, %dma_start3A_150] : memref<10240x16xf32, #tpu.memory_space<vmem_shared>> -> memref<10240x16xf32, #tpu.memory_space<vmem_shared>>
        tpu.enqueue_indirect_dma source(%arg10 : memref<1024x16xf32, #tpu.memory_space<vmem>>) target(%dma_start3A_151 : memref<10240x16xf32, #tpu.memory_space<vmem_shared>>) offsets(%dma_start3A_148 : memref<1024xi32, #tpu.memory_space<vmem>>) semaphore(%run_scoped3A : memref<!tpu.dma_semaphore, #tpu.memory_space<semaphore_mem>>) {add = true}
        %dma_wait3A_152 = tpu.memref_slice %arg7[%mul3A_107] : memref<10240xi32, #tpu.memory_space<vmem>> -> memref<1024xi32, #tpu.memory_space<vmem>>
        %dma_wait3A_153 = arith.constant 0 : i32
        %dma_wait3A_154 = arith.constant 0 : i32
        %dma_wait3A_155 = tpu.memref_slice %arg13[%dma_wait3A_153, %dma_wait3A_154] : memref<10240x16xf32, #tpu.memory_space<vmem_shared>> -> memref<10240x16xf32, #tpu.memory_space<vmem_shared>>
        tpu.wait_indirect_dma semaphore(%run_scoped3A : memref<!tpu.dma_semaphore, #tpu.memory_space<semaphore_mem>>) src(%arg10 : memref<1024x16xf32, #tpu.memory_space<vmem>>) dst(%dma_wait3A_155 : memref<10240x16xf32, #tpu.memory_space<vmem_shared>>)
        tpu.yield
      }) : () -> ()
      %lt3A_108 = arith.constant 1 : i32
      %lt3A_109 = arith.cmpi slt, %scan3A_63, %lt3A_108 : i32
      %convert_element_type3A_110 = arith.extui %lt3A_109 : i1 to i32
      %cond3A_111 = arith.constant 0 : i32
      %cond3A_112 = arith.cmpi ne, %convert_element_type3A_110, %cond3A_111 : i32
      scf.if %cond3A_112 {
        %add3A_148 = arith.constant 5 : i32
        %add3A_149 = arith.addi %add3A_99, %add3A_148 : i32
        %mul3A_150 = arith.constant 1024 : i32
        %mul3A_151 = arith.muli %add3A_149, %mul3A_150 : i32
        %dma_start3A_152 = tpu.memref_slice %arg6[%mul3A_151] : memref<10240xi32, #tpu.memory_space<vmem>> -> memref<1024xi32, #tpu.memory_space<vmem>>
        %dma_start3A_153 = arith.constant 0 : i32
        %dma_start3A_154 = arith.constant 0 : i32
        %dma_start3A_155 = tpu.memref_slice %arg2[%dma_start3A_153, %dma_start3A_154] : memref<80000x16xf32, #tpu.memory_space<hbm>> -> memref<80000x16xf32, #tpu.memory_space<hbm>>
        tpu.enqueue_indirect_dma source(%dma_start3A_155 : memref<80000x16xf32, #tpu.memory_space<hbm>>) target(%arg10 : memref<1024x16xf32, #tpu.memory_space<vmem>>) offsets(%dma_start3A_152 : memref<1024xi32, #tpu.memory_space<vmem>>) semaphore(%arg17 : memref<!tpu.dma_semaphore, #tpu.memory_space<semaphore_mem>>)
      } else {
      }
      %mul3A_113 = arith.constant 5 : i32
      %mul3A_114 = arith.muli %scan3A_63, %mul3A_113 : i32
      %add3A_115 = arith.constant 3 : i32
      %add3A_116 = arith.addi %mul3A_114, %add3A_115 : i32
      %mul3A_117 = arith.constant 1024 : i32
      %mul3A_118 = arith.muli %add3A_116, %mul3A_117 : i32
      %dma_wait3A_119 = tpu.memref_slice %arg6[%mul3A_118] : memref<10240xi32, #tpu.memory_space<vmem>> -> memref<1024xi32, #tpu.memory_space<vmem>>
      %dma_wait3A_120 = arith.constant 0 : i32
      %dma_wait3A_121 = arith.constant 0 : i32
      %dma_wait3A_122 = tpu.memref_slice %arg2[%dma_wait3A_120, %dma_wait3A_121] : memref<80000x16xf32, #tpu.memory_space<hbm>> -> memref<80000x16xf32, #tpu.memory_space<hbm>>
      tpu.wait_indirect_dma semaphore(%arg18 : memref<!tpu.dma_semaphore, #tpu.memory_space<semaphore_mem>>) src(%dma_wait3A_122 : memref<80000x16xf32, #tpu.memory_space<hbm>>) dst(%arg11 : memref<1024x16xf32, #tpu.memory_space<vmem>>)
      %mul3A_123 = arith.constant 1024 : i32
      %mul3A_124 = arith.muli %add3A_116, %mul3A_123 : i32
      "tpu.region"() ({
        %run_scoped3A = tpu.sem_alloc : memref<!tpu.dma_semaphore, #tpu.memory_space<semaphore_mem>>
        %dma_start3A_148 = tpu.memref_slice %arg7[%mul3A_124] : memref<10240xi32, #tpu.memory_space<vmem>> -> memref<1024xi32, #tpu.memory_space<vmem>>
        %dma_start3A_149 = arith.constant 0 : i32
        %dma_start3A_150 = arith.constant 0 : i32
        %dma_start3A_151 = tpu.memref_slice %arg13[%dma_start3A_149, %dma_start3A_150] : memref<10240x16xf32, #tpu.memory_space<vmem_shared>> -> memref<10240x16xf32, #tpu.memory_space<vmem_shared>>
        tpu.enqueue_indirect_dma source(%arg11 : memref<1024x16xf32, #tpu.memory_space<vmem>>) target(%dma_start3A_151 : memref<10240x16xf32, #tpu.memory_space<vmem_shared>>) offsets(%dma_start3A_148 : memref<1024xi32, #tpu.memory_space<vmem>>) semaphore(%run_scoped3A : memref<!tpu.dma_semaphore, #tpu.memory_space<semaphore_mem>>) {add = true}
        %dma_wait3A_152 = tpu.memref_slice %arg7[%mul3A_124] : memref<10240xi32, #tpu.memory_space<vmem>> -> memref<1024xi32, #tpu.memory_space<vmem>>
        %dma_wait3A_153 = arith.constant 0 : i32
        %dma_wait3A_154 = arith.constant 0 : i32
        %dma_wait3A_155 = tpu.memref_slice %arg13[%dma_wait3A_153, %dma_wait3A_154] : memref<10240x16xf32, #tpu.memory_space<vmem_shared>> -> memref<10240x16xf32, #tpu.memory_space<vmem_shared>>
        tpu.wait_indirect_dma semaphore(%run_scoped3A : memref<!tpu.dma_semaphore, #tpu.memory_space<semaphore_mem>>) src(%arg11 : memref<1024x16xf32, #tpu.memory_space<vmem>>) dst(%dma_wait3A_155 : memref<10240x16xf32, #tpu.memory_space<vmem_shared>>)
        tpu.yield
      }) : () -> ()
      %lt3A_125 = arith.constant 1 : i32
      %lt3A_126 = arith.cmpi slt, %scan3A_63, %lt3A_125 : i32
      %convert_element_type3A_127 = arith.extui %lt3A_126 : i1 to i32
      %cond3A_128 = arith.constant 0 : i32
      %cond3A_129 = arith.cmpi ne, %convert_element_type3A_127, %cond3A_128 : i32
      scf.if %cond3A_129 {
        %add3A_148 = arith.constant 5 : i32
        %add3A_149 = arith.addi %add3A_116, %add3A_148 : i32
        %mul3A_150 = arith.constant 1024 : i32
        %mul3A_151 = arith.muli %add3A_149, %mul3A_150 : i32
        %dma_start3A_152 = tpu.memref_slice %arg6[%mul3A_151] : memref<10240xi32, #tpu.memory_space<vmem>> -> memref<1024xi32, #tpu.memory_space<vmem>>
        %dma_start3A_153 = arith.constant 0 : i32
        %dma_start3A_154 = arith.constant 0 : i32
        %dma_start3A_155 = tpu.memref_slice %arg2[%dma_start3A_153, %dma_start3A_154] : memref<80000x16xf32, #tpu.memory_space<hbm>> -> memref<80000x16xf32, #tpu.memory_space<hbm>>
        tpu.enqueue_indirect_dma source(%dma_start3A_155 : memref<80000x16xf32, #tpu.memory_space<hbm>>) target(%arg11 : memref<1024x16xf32, #tpu.memory_space<vmem>>) offsets(%dma_start3A_152 : memref<1024xi32, #tpu.memory_space<vmem>>) semaphore(%arg18 : memref<!tpu.dma_semaphore, #tpu.memory_space<semaphore_mem>>)
      } else {
      }
      %mul3A_130 = arith.constant 5 : i32
      %mul3A_131 = arith.muli %scan3A_63, %mul3A_130 : i32
      %add3A_132 = arith.constant 4 : i32
      %add3A_133 = arith.addi %mul3A_131, %add3A_132 : i32
      %mul3A_134 = arith.constant 1024 : i32
      %mul3A_135 = arith.muli %add3A_133, %mul3A_134 : i32
      %dma_wait3A_136 = tpu.memref_slice %arg6[%mul3A_135] : memref<10240xi32, #tpu.memory_space<vmem>> -> memref<1024xi32, #tpu.memory_space<vmem>>
      %dma_wait3A_137 = arith.constant 0 : i32
      %dma_wait3A_138 = arith.constant 0 : i32
      %dma_wait3A_139 = tpu.memref_slice %arg2[%dma_wait3A_137, %dma_wait3A_138] : memref<80000x16xf32, #tpu.memory_space<hbm>> -> memref<80000x16xf32, #tpu.memory_space<hbm>>
      tpu.wait_indirect_dma semaphore(%arg19 : memref<!tpu.dma_semaphore, #tpu.memory_space<semaphore_mem>>) src(%dma_wait3A_139 : memref<80000x16xf32, #tpu.memory_space<hbm>>) dst(%arg12 : memref<1024x16xf32, #tpu.memory_space<vmem>>)
      %mul3A_140 = arith.constant 1024 : i32
      %mul3A_141 = arith.muli %add3A_133, %mul3A_140 : i32
      "tpu.region"() ({
        %run_scoped3A = tpu.sem_alloc : memref<!tpu.dma_semaphore, #tpu.memory_space<semaphore_mem>>
        %dma_start3A_148 = tpu.memref_slice %arg7[%mul3A_141] : memref<10240xi32, #tpu.memory_space<vmem>> -> memref<1024xi32, #tpu.memory_space<vmem>>
        %dma_start3A_149 = arith.constant 0 : i32
        %dma_start3A_150 = arith.constant 0 : i32
        %dma_start3A_151 = tpu.memref_slice %arg13[%dma_start3A_149, %dma_start3A_150] : memref<10240x16xf32, #tpu.memory_space<vmem_shared>> -> memref<10240x16xf32, #tpu.memory_space<vmem_shared>>
        tpu.enqueue_indirect_dma source(%arg12 : memref<1024x16xf32, #tpu.memory_space<vmem>>) target(%dma_start3A_151 : memref<10240x16xf32, #tpu.memory_space<vmem_shared>>) offsets(%dma_start3A_148 : memref<1024xi32, #tpu.memory_space<vmem>>) semaphore(%run_scoped3A : memref<!tpu.dma_semaphore, #tpu.memory_space<semaphore_mem>>) {add = true}
        %dma_wait3A_152 = tpu.memref_slice %arg7[%mul3A_141] : memref<10240xi32, #tpu.memory_space<vmem>> -> memref<1024xi32, #tpu.memory_space<vmem>>
        %dma_wait3A_153 = arith.constant 0 : i32
        %dma_wait3A_154 = arith.constant 0 : i32
        %dma_wait3A_155 = tpu.memref_slice %arg13[%dma_wait3A_153, %dma_wait3A_154] : memref<10240x16xf32, #tpu.memory_space<vmem_shared>> -> memref<10240x16xf32, #tpu.memory_space<vmem_shared>>
        tpu.wait_indirect_dma semaphore(%run_scoped3A : memref<!tpu.dma_semaphore, #tpu.memory_space<semaphore_mem>>) src(%arg12 : memref<1024x16xf32, #tpu.memory_space<vmem>>) dst(%dma_wait3A_155 : memref<10240x16xf32, #tpu.memory_space<vmem_shared>>)
        tpu.yield
      }) : () -> ()
      %lt3A_142 = arith.constant 1 : i32
      %lt3A_143 = arith.cmpi slt, %scan3A_63, %lt3A_142 : i32
      %convert_element_type3A_144 = arith.extui %lt3A_143 : i1 to i32
      %cond3A_145 = arith.constant 0 : i32
      %cond3A_146 = arith.cmpi ne, %convert_element_type3A_144, %cond3A_145 : i32
      scf.if %cond3A_146 {
        %add3A_148 = arith.constant 5 : i32
        %add3A_149 = arith.addi %add3A_133, %add3A_148 : i32
        %mul3A_150 = arith.constant 1024 : i32
        %mul3A_151 = arith.muli %add3A_149, %mul3A_150 : i32
        %dma_start3A_152 = tpu.memref_slice %arg6[%mul3A_151] : memref<10240xi32, #tpu.memory_space<vmem>> -> memref<1024xi32, #tpu.memory_space<vmem>>
        %dma_start3A_153 = arith.constant 0 : i32
        %dma_start3A_154 = arith.constant 0 : i32
        %dma_start3A_155 = tpu.memref_slice %arg2[%dma_start3A_153, %dma_start3A_154] : memref<80000x16xf32, #tpu.memory_space<hbm>> -> memref<80000x16xf32, #tpu.memory_space<hbm>>
        tpu.enqueue_indirect_dma source(%dma_start3A_155 : memref<80000x16xf32, #tpu.memory_space<hbm>>) target(%arg12 : memref<1024x16xf32, #tpu.memory_space<vmem>>) offsets(%dma_start3A_152 : memref<1024xi32, #tpu.memory_space<vmem>>) semaphore(%arg19 : memref<!tpu.dma_semaphore, #tpu.memory_space<semaphore_mem>>)
      } else {
      }
      %scan3A_147 = arith.constant 0 : i32
      scf.yield %scan3A_147 : i32
    }
    %scan3A_57 = arith.constant 2 : i32
    %barrier3A_58 = arith.constant 0 : index
    tpu.barrier barrier_id(%barrier3A_58)
    %mul3A_59 = arith.constant 640 : i32
    %mul3A_60 = arith.muli %arg1, %mul3A_59 : i32
    %mul3A_61 = arith.constant 640 : i32
    %mul3A_62 = arith.muli %arg1, %mul3A_61 : i32
    "tpu.region"() ({
      %run_scoped3A = tpu.sem_alloc : memref<!tpu.dma_semaphore, #tpu.memory_space<semaphore_mem>>
      %dma_start3A_63 = arith.constant 0 : i32
      %dma_start3A_64 = tpu.memref_slice %arg5[%arg0, %mul3A_62, %dma_start3A_63] : memref<2x10240x128xf32, #tpu.memory_space<hbm>> -> memref<1x640x16xf32, #tpu.memory_space<hbm>>
      %dma_start3A_65 = tpu.memref_squeeze %dma_start3A_64 : memref<1x640x16xf32, #tpu.memory_space<hbm>> -> memref<640x16xf32, #tpu.memory_space<hbm>>
      %dma_start3A_66 = arith.constant 0 : i32
      %dma_start3A_67 = tpu.memref_slice %arg13[%mul3A_60, %dma_start3A_66] : memref<10240x16xf32, #tpu.memory_space<vmem_shared>> -> memref<640x16xf32, #tpu.memory_space<vmem_shared>>
      tpu.enqueue_dma source(%dma_start3A_67 : memref<640x16xf32, #tpu.memory_space<vmem_shared>>) target(%dma_start3A_65 : memref<640x16xf32, #tpu.memory_space<hbm>>) target_semaphore(%run_scoped3A : memref<!tpu.dma_semaphore, #tpu.memory_space<semaphore_mem>>)
      %dma_wait3A_68 = arith.constant 0 : i32
      %dma_wait3A_69 = tpu.memref_slice %arg5[%arg0, %mul3A_62, %dma_wait3A_68] : memref<2x10240x128xf32, #tpu.memory_space<hbm>> -> memref<1x640x16xf32, #tpu.memory_space<hbm>>
      %dma_wait3A_70 = tpu.memref_squeeze %dma_wait3A_69 : memref<1x640x16xf32, #tpu.memory_space<hbm>> -> memref<640x16xf32, #tpu.memory_space<hbm>>
      %dma_wait3A_71 = arith.constant 0 : i32
      %dma_wait3A_72 = tpu.memref_slice %arg13[%mul3A_60, %dma_wait3A_71] : memref<10240x16xf32, #tpu.memory_space<vmem_shared>> -> memref<640x16xf32, #tpu.memory_space<vmem_shared>>
      tpu.wait_dma2 semaphore(%run_scoped3A : memref<!tpu.dma_semaphore, #tpu.memory_space<semaphore_mem>>) src(%dma_wait3A_72 : memref<640x16xf32, #tpu.memory_space<vmem_shared>>) dst(%dma_wait3A_70 : memref<640x16xf32, #tpu.memory_space<hbm>>)
      tpu.yield
    }) : () -> ()
    return
  }
}

#map = affine_map<(d0, d1) -> (0, 0)>
#map1 = affine_map<(d0, d1) -> (0)>
module attributes {stable_mosaic.version = 14 : i64} {
  func.func @_deg_kernel(%arg0: i32, %arg1: i32, %arg2: memref<2x327680xi32, #tpu.memory_space<hbm>>, %arg3: memref<10240xf32, #tpu.memory_space<hbm>>, %arg4: memref<2x10240xf32, #tpu.memory_space<hbm>>, %arg5: memref<10240xi32, #tpu.memory_space<vmem>>, %arg6: memref<1024xf32, #tpu.memory_space<vmem>>, %arg7: memref<10240xf32, #tpu.memory_space<vmem_shared>>, %arg8: memref<!tpu.dma_semaphore, #tpu.memory_space<semaphore_mem>>) attributes {dimension_semantics = [#tpu.dimension_semantics<core_parallel>, #tpu.dimension_semantics<subcore_parallel>], iteration_bounds = array<i64: 2, 16>, scalar_prefetch = 0 : i64, scratch_operands = 4 : i64, tpu.core_type = #tpu.core_type<sc_vector_subcore>, window_params = [{transform_indices = #map}, {transform_indices = #map1}, {transform_indices = #map}]} {
    %mul3A = arith.constant 2 : i32
    %mul3A_0 = arith.muli %arg1, %mul3A : i32
    %add3A = arith.addi %mul3A_0, %arg0 : i32
    %scan3A = arith.constant 0 : i32
    %scan3A_1 = arith.constant 0 : i32
    %scan3A_2 = arith.constant 64 : i32
    %scan3A_3 = arith.addi %scan3A_1, %scan3A_2 : i32
    %scan3A_4 = arith.constant 1 : i32
    %scan3A_5 = scf.for %scan3A_33 = %scan3A_1 to %scan3A_3 step %scan3A_4 iter_args(%scan3A_34 = %scan3A) -> (i32)  : i32 {
      %broadcast_in_dim3A = arith.constant 1.000000e+00 : f32
      %broadcast_in_dim3A_35 = vector.broadcast %broadcast_in_dim3A : f32 to vector<16xf32>
      %mul3A_36 = arith.constant 16 : i32
      %mul3A_37 = arith.muli %scan3A_33, %mul3A_36 : i32
      %swap3A = arith.index_cast %mul3A_37 : i32 to index
      %swap3A_38 = tpu.vector_load %arg6[%swap3A] {strides = array<i32>} : memref<1024xf32, #tpu.memory_space<vmem>>, vector<16xf32>,
      %swap3A_39 = vector.shape_cast %swap3A_38 : vector<16xf32> to vector<16xf32>
      %swap3A_40 = vector.shape_cast %broadcast_in_dim3A_35 : vector<16xf32> to vector<16xf32>
      tpu.vector_store %arg6[%swap3A], %swap3A_40 {strides = array<i32>} : memref<1024xf32, #tpu.memory_space<vmem>>, vector<16xf32>,
      %scan3A_41 = arith.constant 0 : i32
      scf.yield %scan3A_41 : i32
    }
    %scan3A_6 = arith.constant 64 : i32
    %mul3A_7 = arith.constant 640 : i32
    %mul3A_8 = arith.muli %arg1, %mul3A_7 : i32
    %mul3A_9 = arith.constant 640 : i32
    %mul3A_10 = arith.muli %arg1, %mul3A_9 : i32
    "tpu.region"() ({
      %run_scoped3A = tpu.sem_alloc : memref<!tpu.dma_semaphore, #tpu.memory_space<semaphore_mem>>
      %dma_start3A_33 = tpu.memref_slice %arg7[%mul3A_10] : memref<10240xf32, #tpu.memory_space<vmem_shared>> -> memref<640xf32, #tpu.memory_space<vmem_shared>>
      %dma_start3A_34 = tpu.memref_slice %arg3[%mul3A_8] : memref<10240xf32, #tpu.memory_space<hbm>> -> memref<640xf32, #tpu.memory_space<hbm>>
      tpu.enqueue_dma source(%dma_start3A_34 : memref<640xf32, #tpu.memory_space<hbm>>) target(%dma_start3A_33 : memref<640xf32, #tpu.memory_space<vmem_shared>>) target_semaphore(%run_scoped3A : memref<!tpu.dma_semaphore, #tpu.memory_space<semaphore_mem>>)
      %dma_wait3A_35 = tpu.memref_slice %arg7[%mul3A_10] : memref<10240xf32, #tpu.memory_space<vmem_shared>> -> memref<640xf32, #tpu.memory_space<vmem_shared>>
      %dma_wait3A_36 = tpu.memref_slice %arg3[%mul3A_8] : memref<10240xf32, #tpu.memory_space<hbm>> -> memref<640xf32, #tpu.memory_space<hbm>>
      tpu.wait_dma2 semaphore(%run_scoped3A : memref<!tpu.dma_semaphore, #tpu.memory_space<semaphore_mem>>) src(%dma_wait3A_36 : memref<640xf32, #tpu.memory_space<hbm>>) dst(%dma_wait3A_35 : memref<640xf32, #tpu.memory_space<vmem_shared>>)
      tpu.yield
    }) : () -> ()
    %barrier3A = arith.constant 0 : index
    tpu.barrier barrier_id(%barrier3A)
    %mul3A_11 = arith.constant 10240 : i32
    %mul3A_12 = arith.muli %add3A, %mul3A_11 : i32
    %dma_start3A = arith.constant 1 : i32
    %dma_start3A_13 = tpu.memref_slice %arg2[%dma_start3A, %mul3A_12] : memref<2x327680xi32, #tpu.memory_space<hbm>> -> memref<1x10240xi32, #tpu.memory_space<hbm>>
    %dma_start3A_14 = tpu.memref_squeeze %dma_start3A_13 : memref<1x10240xi32, #tpu.memory_space<hbm>> -> memref<10240xi32, #tpu.memory_space<hbm>>
    %dma_start3A_15 = tpu.memref_slice %arg2[%dma_start3A, %mul3A_12] : memref<2x327680xi32, #tpu.memory_space<hbm>> -> memref<1x10240xi32, #tpu.memory_space<hbm>>
    %dma_start3A_16 = tpu.memref_squeeze %dma_start3A_15 : memref<1x10240xi32, #tpu.memory_space<hbm>> -> memref<10240xi32, #tpu.memory_space<hbm>>
    tpu.enqueue_dma source(%dma_start3A_16 : memref<10240xi32, #tpu.memory_space<hbm>>) target(%arg5 : memref<10240xi32, #tpu.memory_space<vmem>>) target_semaphore(%arg8 : memref<!tpu.dma_semaphore, #tpu.memory_space<semaphore_mem>>)
    %dma_wait3A = arith.constant 1 : i32
    %dma_wait3A_17 = tpu.memref_slice %arg2[%dma_wait3A, %mul3A_12] : memref<2x327680xi32, #tpu.memory_space<hbm>> -> memref<1x10240xi32, #tpu.memory_space<hbm>>
    %dma_wait3A_18 = tpu.memref_squeeze %dma_wait3A_17 : memref<1x10240xi32, #tpu.memory_space<hbm>> -> memref<10240xi32, #tpu.memory_space<hbm>>
    %dma_wait3A_19 = tpu.memref_slice %arg2[%dma_wait3A, %mul3A_12] : memref<2x327680xi32, #tpu.memory_space<hbm>> -> memref<1x10240xi32, #tpu.memory_space<hbm>>
    %dma_wait3A_20 = tpu.memref_squeeze %dma_wait3A_19 : memref<1x10240xi32, #tpu.memory_space<hbm>> -> memref<10240xi32, #tpu.memory_space<hbm>>
    tpu.wait_dma2 semaphore(%arg8 : memref<!tpu.dma_semaphore, #tpu.memory_space<semaphore_mem>>) src(%dma_wait3A_20 : memref<10240xi32, #tpu.memory_space<hbm>>) dst(%arg5 : memref<10240xi32, #tpu.memory_space<vmem>>)
    %scan3A_21 = arith.constant 0 : i32
    %scan3A_22 = arith.constant 0 : i32
    %scan3A_23 = arith.constant 10 : i32
    %scan3A_24 = arith.addi %scan3A_22, %scan3A_23 : i32
    %scan3A_25 = arith.constant 1 : i32
    %scan3A_26 = scf.for %scan3A_33 = %scan3A_22 to %scan3A_24 step %scan3A_25 iter_args(%scan3A_34 = %scan3A_21) -> (i32)  : i32 {
      %mul3A_35 = arith.constant 1024 : i32
      %mul3A_36 = arith.muli %scan3A_33, %mul3A_35 : i32
      "tpu.region"() ({
        %run_scoped3A = tpu.sem_alloc : memref<!tpu.dma_semaphore, #tpu.memory_space<semaphore_mem>>
        %dma_start3A_38 = tpu.memref_slice %arg5[%mul3A_36] : memref<10240xi32, #tpu.memory_space<vmem>> -> memref<1024xi32, #tpu.memory_space<vmem>>
        %dma_start3A_39 = arith.constant 0 : i32
        %dma_start3A_40 = tpu.memref_slice %arg7[%dma_start3A_39] : memref<10240xf32, #tpu.memory_space<vmem_shared>> -> memref<10240xf32, #tpu.memory_space<vmem_shared>>
        tpu.enqueue_indirect_dma source(%arg6 : memref<1024xf32, #tpu.memory_space<vmem>>) target(%dma_start3A_40 : memref<10240xf32, #tpu.memory_space<vmem_shared>>) offsets(%dma_start3A_38 : memref<1024xi32, #tpu.memory_space<vmem>>) semaphore(%run_scoped3A : memref<!tpu.dma_semaphore, #tpu.memory_space<semaphore_mem>>) {add = true}
        %dma_wait3A_41 = tpu.memref_slice %arg5[%mul3A_36] : memref<10240xi32, #tpu.memory_space<vmem>> -> memref<1024xi32, #tpu.memory_space<vmem>>
        %dma_wait3A_42 = arith.constant 0 : i32
        %dma_wait3A_43 = tpu.memref_slice %arg7[%dma_wait3A_42] : memref<10240xf32, #tpu.memory_space<vmem_shared>> -> memref<10240xf32, #tpu.memory_space<vmem_shared>>
        tpu.wait_indirect_dma semaphore(%run_scoped3A : memref<!tpu.dma_semaphore, #tpu.memory_space<semaphore_mem>>) src(%arg6 : memref<1024xf32, #tpu.memory_space<vmem>>) dst(%dma_wait3A_43 : memref<10240xf32, #tpu.memory_space<vmem_shared>>)
        tpu.yield
      }) : () -> ()
      %scan3A_37 = arith.constant 0 : i32
      scf.yield %scan3A_37 : i32
    }
    %scan3A_27 = arith.constant 10 : i32
    %barrier3A_28 = arith.constant 0 : index
    tpu.barrier barrier_id(%barrier3A_28)
    %mul3A_29 = arith.constant 640 : i32
    %mul3A_30 = arith.muli %arg1, %mul3A_29 : i32
    %mul3A_31 = arith.constant 640 : i32
    %mul3A_32 = arith.muli %arg1, %mul3A_31 : i32
    "tpu.region"() ({
      %run_scoped3A = tpu.sem_alloc : memref<!tpu.dma_semaphore, #tpu.memory_space<semaphore_mem>>
      %dma_start3A_33 = tpu.memref_slice %arg4[%arg0, %mul3A_32] : memref<2x10240xf32, #tpu.memory_space<hbm>> -> memref<1x640xf32, #tpu.memory_space<hbm>>
      %dma_start3A_34 = tpu.memref_squeeze %dma_start3A_33 : memref<1x640xf32, #tpu.memory_space<hbm>> -> memref<640xf32, #tpu.memory_space<hbm>>
      %dma_start3A_35 = tpu.memref_slice %arg7[%mul3A_30] : memref<10240xf32, #tpu.memory_space<vmem_shared>> -> memref<640xf32, #tpu.memory_space<vmem_shared>>
      tpu.enqueue_dma source(%dma_start3A_35 : memref<640xf32, #tpu.memory_space<vmem_shared>>) target(%dma_start3A_34 : memref<640xf32, #tpu.memory_space<hbm>>) target_semaphore(%run_scoped3A : memref<!tpu.dma_semaphore, #tpu.memory_space<semaphore_mem>>)
      %dma_wait3A_36 = tpu.memref_slice %arg4[%arg0, %mul3A_32] : memref<2x10240xf32, #tpu.memory_space<hbm>> -> memref<1x640xf32, #tpu.memory_space<hbm>>
      %dma_wait3A_37 = tpu.memref_squeeze %dma_wait3A_36 : memref<1x640xf32, #tpu.memory_space<hbm>> -> memref<640xf32, #tpu.memory_space<hbm>>
      %dma_wait3A_38 = tpu.memref_slice %arg7[%mul3A_30] : memref<10240xf32, #tpu.memory_space<vmem_shared>> -> memref<640xf32, #tpu.memory_space<vmem_shared>>
      tpu.wait_dma2 semaphore(%run_scoped3A : memref<!tpu.dma_semaphore, #tpu.memory_space<semaphore_mem>>) src(%dma_wait3A_38 : memref<640xf32, #tpu.memory_space<vmem_shared>>) dst(%dma_wait3A_37 : memref<640xf32, #tpu.memory_space<hbm>>)
      tpu.yield
    }) : () -> ()
    return
  }
}

module attributes {stable_mosaic.version = 14 : i64} {
  func.func @_tc1a_body(%arg0: memref<10000x128xf32, #tpu.memory_space<vmem>>, %arg1: memref<128x16xf32, #tpu.memory_space<vmem>>, %arg2: memref<10000x128xf32, #tpu.memory_space<vmem>>) attributes {dimension_semantics = [], scalar_prefetch = 0 : i64, scratch_operands = 0 : i64, tpu.core_type = #tpu.core_type<tc>} {
    %get3A = arith.constant 0 : index
    %get3A_0 = arith.constant 0 : index
    %get3A_1 = vector.load %arg0[%get3A, %get3A_0] : memref<10000x128xf32, #tpu.memory_space<vmem>>, vector<10000x128xf32>
    %get3A_2 = arith.constant 0 : index
    %get3A_3 = arith.constant 0 : index
    %get3A_4 = vector.load %arg1[%get3A_2, %get3A_3] : memref<128x16xf32, #tpu.memory_space<vmem>>, vector<128x16xf32>
    %dot_general3A = arith.constant dense<0.000000e+00> : vector<10000x16xf32>
    %dot_general3A_5 = tpu.matmul %get3A_1, %get3A_4, %dot_general3A {dimension_numbers = #tpu.dot_dimension_numbers<[1], [0], [0], [1], [0, 0, 1, 1], [], []>, transpose_lhs_hint = false} : vector<10000x128xf32>, vector<128x16xf32>, vector<10000x16xf32> -> vector<10000x16xf32>
    %swap3A = arith.constant 0 : index
    %swap3A_6 = arith.constant 0 : index
    %swap3A_7 = vector.load %arg2[%swap3A, %swap3A_6] : memref<10000x128xf32, #tpu.memory_space<vmem>>, vector<10000x16xf32>
    tpu.vector_store %arg2[%swap3A, %swap3A_6], %dot_general3A_5 {strides = array<i32>} : memref<10000x128xf32, #tpu.memory_space<vmem>>, vector<10000x16xf32>,
    return
  }
}

module attributes {stable_mosaic.version = 14 : i64} {
  func.func @_tc1b_body(%arg0: memref<10000x128xf32, #tpu.memory_space<vmem>>, %arg1: memref<2x10240xf32, #tpu.memory_space<vmem>>, %arg2: memref<10000x128xf32, #tpu.memory_space<vmem>>) attributes {dimension_semantics = [], scalar_prefetch = 0 : i64, scratch_operands = 0 : i64, tpu.core_type = #tpu.core_type<tc>} {
    %get3A = arith.constant 0 : index
    %get3A_0 = arith.constant 0 : index
    %get3A_1 = vector.load %arg0[%get3A, %get3A_0] : memref<10000x128xf32, #tpu.memory_space<vmem>>, vector<10000x16xf32>
    %get3A_2 = arith.constant 0 : index
    %get3A_3 = arith.constant 0 : index
    %get3A_4 = vector.load %arg1[%get3A_2, %get3A_3] : memref<2x10240xf32, #tpu.memory_space<vmem>>, vector<1x10000xf32>
    %get3A_5 = vector.shape_cast %get3A_4 : vector<1x10000xf32> to vector<10000xf32>
    %get3A_6 = arith.constant 1 : index
    %get3A_7 = arith.constant 0 : index
    %get3A_8 = vector.load %arg1[%get3A_6, %get3A_7] : memref<2x10240xf32, #tpu.memory_space<vmem>>, vector<1x10000xf32>
    %get3A_9 = vector.shape_cast %get3A_8 : vector<1x10000xf32> to vector<10000xf32>
    %add3A = arith.addf %get3A_5, %get3A_9 : vector<10000xf32>
    %add3A_10 = arith.constant 1.000000e+00 : f32
    %add3A_11 = vector.broadcast %add3A_10 : f32 to vector<10000xf32>
    %add3A_12 = arith.addf %add3A, %add3A_11 : vector<10000xf32>
    %rsqrt3A = math.rsqrt %add3A_12 : vector<10000xf32>
    %broadcast_in_dim3A = vector.shape_cast %rsqrt3A : vector<10000xf32> to vector<10000x1xf32>
    %mul3A = vector.broadcast %broadcast_in_dim3A : vector<10000x1xf32> to vector<10000x16xf32>
    %mul3A_13 = arith.mulf %get3A_1, %mul3A : vector<10000x16xf32>
    %swap3A = arith.constant 0 : index
    %swap3A_14 = arith.constant 0 : index
    %swap3A_15 = vector.load %arg2[%swap3A, %swap3A_14] : memref<10000x128xf32, #tpu.memory_space<vmem>>, vector<10000x16xf32>
    tpu.vector_store %arg2[%swap3A, %swap3A_14], %mul3A_13 {strides = array<i32>} : memref<10000x128xf32, #tpu.memory_space<vmem>>, vector<10000x16xf32>,
    return
  }
}

module attributes {stable_mosaic.version = 14 : i64} {
  func.func @_tc2_body(%arg0: memref<2x10240x128xf32, #tpu.memory_space<vmem>>, %arg1: memref<10000x128xf32, #tpu.memory_space<vmem>>, %arg2: memref<2x10240xf32, #tpu.memory_space<vmem>>, %arg3: memref<1x16xf32, #tpu.memory_space<vmem>>, %arg4: memref<16x16xf32, #tpu.memory_space<vmem>>, %arg5: memref<10000x128xf32, #tpu.memory_space<vmem>>) attributes {dimension_semantics = [], scalar_prefetch = 0 : i64, scratch_operands = 0 : i64, tpu.core_type = #tpu.core_type<tc>} {
    %get3A = arith.constant 0 : index
    %get3A_0 = arith.constant 0 : index
    %get3A_1 = vector.load %arg2[%get3A, %get3A_0] : memref<2x10240xf32, #tpu.memory_space<vmem>>, vector<1x10000xf32>
    %get3A_2 = vector.shape_cast %get3A_1 : vector<1x10000xf32> to vector<10000xf32>
    %get3A_3 = arith.constant 1 : index
    %get3A_4 = arith.constant 0 : index
    %get3A_5 = vector.load %arg2[%get3A_3, %get3A_4] : memref<2x10240xf32, #tpu.memory_space<vmem>>, vector<1x10000xf32>
    %get3A_6 = vector.shape_cast %get3A_5 : vector<1x10000xf32> to vector<10000xf32>
    %add3A = arith.addf %get3A_2, %get3A_6 : vector<10000xf32>
    %add3A_7 = arith.constant 1.000000e+00 : f32
    %add3A_8 = vector.broadcast %add3A_7 : f32 to vector<10000xf32>
    %add3A_9 = arith.addf %add3A, %add3A_8 : vector<10000xf32>
    %rsqrt3A = math.rsqrt %add3A_9 : vector<10000xf32>
    %get3A_10 = arith.constant 0 : index
    %get3A_11 = arith.constant 0 : index
    %get3A_12 = arith.constant 0 : index
    %get3A_13 = vector.load %arg0[%get3A_10, %get3A_11, %get3A_12] : memref<2x10240x128xf32, #tpu.memory_space<vmem>>, vector<1x10000x16xf32>
    %get3A_14 = vector.shape_cast %get3A_13 : vector<1x10000x16xf32> to vector<10000x16xf32>
    %get3A_15 = arith.constant 1 : index
    %get3A_16 = arith.constant 0 : index
    %get3A_17 = arith.constant 0 : index
    %get3A_18 = vector.load %arg0[%get3A_15, %get3A_16, %get3A_17] : memref<2x10240x128xf32, #tpu.memory_space<vmem>>, vector<1x10000x16xf32>
    %get3A_19 = vector.shape_cast %get3A_18 : vector<1x10000x16xf32> to vector<10000x16xf32>
    %add3A_20 = arith.addf %get3A_14, %get3A_19 : vector<10000x16xf32>
    %get3A_21 = arith.constant 0 : index
    %get3A_22 = arith.constant 0 : index
    %get3A_23 = vector.load %arg1[%get3A_21, %get3A_22] : memref<10000x128xf32, #tpu.memory_space<vmem>>, vector<10000x16xf32>
    %add3A_24 = arith.addf %add3A_20, %get3A_23 : vector<10000x16xf32>
    %broadcast_in_dim3A = vector.shape_cast %rsqrt3A : vector<10000xf32> to vector<10000x1xf32>
    %mul3A = vector.broadcast %broadcast_in_dim3A : vector<10000x1xf32> to vector<10000x16xf32>
    %mul3A_25 = arith.mulf %add3A_24, %mul3A : vector<10000x16xf32>
    %get3A_26 = arith.constant 0 : index
    %get3A_27 = arith.constant 0 : index
    %get3A_28 = vector.load %arg3[%get3A_26, %get3A_27] : memref<1x16xf32, #tpu.memory_space<vmem>>, vector<1x16xf32>
    %add3A_29 = vector.broadcast %get3A_28 : vector<1x16xf32> to vector<10000x16xf32>
    %add3A_30 = arith.addf %mul3A_25, %add3A_29 : vector<10000x16xf32>
    %max3A = arith.constant 0.000000e+00 : f32
    %max3A_31 = vector.broadcast %max3A : f32 to vector<10000x16xf32>
    %max3A_32 = arith.maximumf %add3A_30, %max3A_31 : vector<10000x16xf32>
    %get3A_33 = arith.constant 0 : index
    %get3A_34 = arith.constant 0 : index
    %get3A_35 = vector.load %arg4[%get3A_33, %get3A_34] : memref<16x16xf32, #tpu.memory_space<vmem>>, vector<16x16xf32>
    %dot_general3A = arith.constant dense<0.000000e+00> : vector<10000x16xf32>
    %dot_general3A_36 = tpu.matmul %max3A_32, %get3A_35, %dot_general3A {dimension_numbers = #tpu.dot_dimension_numbers<[1], [0], [0], [1], [0, 0, 1, 1], [], []>, transpose_lhs_hint = false} : vector<10000x16xf32>, vector<16x16xf32>, vector<10000x16xf32> -> vector<10000x16xf32>
    %broadcast_in_dim3A_37 = vector.shape_cast %rsqrt3A : vector<10000xf32> to vector<10000x1xf32>
    %mul3A_38 = vector.broadcast %broadcast_in_dim3A_37 : vector<10000x1xf32> to vector<10000x16xf32>
    %mul3A_39 = arith.mulf %dot_general3A_36, %mul3A_38 : vector<10000x16xf32>
    %swap3A = arith.constant 0 : index
    %swap3A_40 = arith.constant 0 : index
    %swap3A_41 = vector.load %arg5[%swap3A, %swap3A_40] : memref<10000x128xf32, #tpu.memory_space<vmem>>, vector<10000x16xf32>
    tpu.vector_store %arg5[%swap3A, %swap3A_40], %mul3A_39 {strides = array<i32>} : memref<10000x128xf32, #tpu.memory_space<vmem>>, vector<10000x16xf32>,
    return
  }
}

module attributes {stable_mosaic.version = 14 : i64} {
  func.func @_tc3_body(%arg0: memref<2x10240x128xf32, #tpu.memory_space<vmem>>, %arg1: memref<10000x128xf32, #tpu.memory_space<vmem>>, %arg2: memref<2x10240xf32, #tpu.memory_space<vmem>>, %arg3: memref<1x16xf32, #tpu.memory_space<vmem>>, %arg4: memref<10000x16xf32, #tpu.memory_space<vmem>>) attributes {dimension_semantics = [], scalar_prefetch = 0 : i64, scratch_operands = 0 : i64, tpu.core_type = #tpu.core_type<tc>} {
    %get3A = arith.constant 0 : index
    %get3A_0 = arith.constant 0 : index
    %get3A_1 = vector.load %arg2[%get3A, %get3A_0] : memref<2x10240xf32, #tpu.memory_space<vmem>>, vector<1x10000xf32>
    %get3A_2 = vector.shape_cast %get3A_1 : vector<1x10000xf32> to vector<10000xf32>
    %get3A_3 = arith.constant 1 : index
    %get3A_4 = arith.constant 0 : index
    %get3A_5 = vector.load %arg2[%get3A_3, %get3A_4] : memref<2x10240xf32, #tpu.memory_space<vmem>>, vector<1x10000xf32>
    %get3A_6 = vector.shape_cast %get3A_5 : vector<1x10000xf32> to vector<10000xf32>
    %add3A = arith.addf %get3A_2, %get3A_6 : vector<10000xf32>
    %add3A_7 = arith.constant 1.000000e+00 : f32
    %add3A_8 = vector.broadcast %add3A_7 : f32 to vector<10000xf32>
    %add3A_9 = arith.addf %add3A, %add3A_8 : vector<10000xf32>
    %rsqrt3A = math.rsqrt %add3A_9 : vector<10000xf32>
    %get3A_10 = arith.constant 0 : index
    %get3A_11 = arith.constant 0 : index
    %get3A_12 = arith.constant 0 : index
    %get3A_13 = vector.load %arg0[%get3A_10, %get3A_11, %get3A_12] : memref<2x10240x128xf32, #tpu.memory_space<vmem>>, vector<1x10000x16xf32>
    %get3A_14 = vector.shape_cast %get3A_13 : vector<1x10000x16xf32> to vector<10000x16xf32>
    %get3A_15 = arith.constant 1 : index
    %get3A_16 = arith.constant 0 : index
    %get3A_17 = arith.constant 0 : index
    %get3A_18 = vector.load %arg0[%get3A_15, %get3A_16, %get3A_17] : memref<2x10240x128xf32, #tpu.memory_space<vmem>>, vector<1x10000x16xf32>
    %get3A_19 = vector.shape_cast %get3A_18 : vector<1x10000x16xf32> to vector<10000x16xf32>
    %add3A_20 = arith.addf %get3A_14, %get3A_19 : vector<10000x16xf32>
    %get3A_21 = arith.constant 0 : index
    %get3A_22 = arith.constant 0 : index
    %get3A_23 = vector.load %arg1[%get3A_21, %get3A_22] : memref<10000x128xf32, #tpu.memory_space<vmem>>, vector<10000x16xf32>
    %add3A_24 = arith.addf %add3A_20, %get3A_23 : vector<10000x16xf32>
    %broadcast_in_dim3A = vector.shape_cast %rsqrt3A : vector<10000xf32> to vector<10000x1xf32>
    %mul3A = vector.broadcast %broadcast_in_dim3A : vector<10000x1xf32> to vector<10000x16xf32>
    %mul3A_25 = arith.mulf %add3A_24, %mul3A : vector<10000x16xf32>
    %get3A_26 = arith.constant 0 : index
    %get3A_27 = arith.constant 0 : index
    %get3A_28 = vector.load %arg3[%get3A_26, %get3A_27] : memref<1x16xf32, #tpu.memory_space<vmem>>, vector<1x16xf32>
    %add3A_29 = vector.broadcast %get3A_28 : vector<1x16xf32> to vector<10000x16xf32>
    %add3A_30 = arith.addf %mul3A_25, %add3A_29 : vector<10000x16xf32>
    %reduce_max3A = arith.constant dense<0xFF800000> : vector<10000xf32>
    %reduce_max3A_31 = vector.multi_reduction <maximumf>, %add3A_30, %reduce_max3A [1] : vector<10000x16xf32> to vector<10000xf32>
    %broadcast_in_dim3A_32 = vector.shape_cast %reduce_max3A_31 : vector<10000xf32> to vector<10000x1xf32>
    %sub3A = vector.broadcast %broadcast_in_dim3A_32 : vector<10000x1xf32> to vector<10000x16xf32>
    %sub3A_33 = arith.subf %add3A_30, %sub3A : vector<10000x16xf32>
    %exp3A = math.exp %sub3A_33 : vector<10000x16xf32>
    %sub3A_34 = vector.broadcast %broadcast_in_dim3A_32 : vector<10000x1xf32> to vector<10000x16xf32>
    %sub3A_35 = arith.subf %add3A_30, %sub3A_34 : vector<10000x16xf32>
    %reduce_sum3A = arith.constant dense<0.000000e+00> : vector<10000xf32>
    %reduce_sum3A_36 = vector.multi_reduction <add>, %exp3A, %reduce_sum3A [1] : vector<10000x16xf32> to vector<10000xf32>
    %broadcast_in_dim3A_37 = vector.shape_cast %reduce_sum3A_36 : vector<10000xf32> to vector<10000x1xf32>
    %log3A = math.log %broadcast_in_dim3A_37 : vector<10000x1xf32>
    %sub3A_38 = vector.broadcast %log3A : vector<10000x1xf32> to vector<10000x16xf32>
    %sub3A_39 = arith.subf %sub3A_35, %sub3A_38 : vector<10000x16xf32>
    %swap3A = arith.constant 0 : index
    %swap3A_40 = arith.constant 0 : index
    %swap3A_41 = vector.load %arg4[%swap3A, %swap3A_40] : memref<10000x16xf32, #tpu.memory_space<vmem>>, vector<10000x16xf32>
    tpu.vector_store %arg4[%swap3A, %swap3A_40], %sub3A_39 {strides = array<i32>} : memref<10000x16xf32, #tpu.memory_space<vmem>>, vector<10000x16xf32>,
    return
  }
}

</mosaic_0001>

<sc_bundles>
// kernel: kernel.12.cloned.1.call-start
scs
__scs_entry_jumppad:
0x0: {  	(pc) =	sbr.rel $0x88, $3  }
0x1: {  	(tag) =	ssettag $0x0;
	lr =	simm.s32 $0x1  }
0x2: {  	[smem:$0x3F9B] =	sst lr;
	_ =	strace $0xD0000000  }
0x3: {  	_ = 	snop  }
0x4: {  	_ = 	snop  }
0x5: {  	_ = 	snop  }
0x6: {  	_ = 	snop  }
0x7: {  	_ = 	snop  }
__scs_overlays_trampoline_lowered:
0x8: {  	[smem:$0x3FAA] =	sst s0  }
0x9: {  	[smem:$0x3FAB] =	sst s1  }
0xa: {  	[smem:$0x3FAC] =	sst s2  }
0xb: {  	[smem:$0x3FAD] =	sst s3  }
0xc: {  	[smem:$0x3FAE] =	sst s4  }
0xd: {  	[smem:$0x3FAF] =	sst s5  }
0xe: {  	[smem:$0x3FB0] =	sst s6  }
0xf: {  	[smem:$0x3FB1] =	sst s7  }
0x10: {  	[smem:$0x3FB2] =	sst s8  }
0x11: {  	[smem:$0x3FB3] =	sst s9;
	s0 =	simm.s32 @!p0 $0x0  }
0x12: {  	s1 =	sld [smem:$0x3F99];
	s0 =	simm.s32 @p0 $0x1  }
0x13: {  	[smem:$0x3FB4] =	sst s0;
	s0 =	simm.s32 @!p1 $0x0  }
0x14: {  	s2 =	sld [smem:$0x3F98];
	s0 =	simm.s32 @p1 $0x1  }
0x15: {  	[smem:$0x3FB5] =	sst s0;
	s0 =	simm.s32 @!p2 $0x0  }
0x16: {  	s3 =	sld [smem:$0x3FDB];
	s0 =	simm.s32 @p2 $0x1  }
0x17: {  	s4 =	simm.s32 $0x1BF5;
	[smem:$0x3FB7] =	sst s0  }
0x18: {  	s0 =	sld [smem:$0x3F9A];
	_ =	swait.ge [sflag:s4], $0x0  }
0x19: {  	s7 =	sld [smem:$0x3F9B]  }
0x1a: {  	s8 =	sadd.s32 $0xFFFFE003, lr  }
0x1b: {  	s9 =	sadd.s32 $0xFFFFFEF7, lr;
	s5 =	simm.s32 $0xFFFFFFFF;
	p2 =	slt.u32 s8, $0xFFFFF086  }
0x1c: {  	p1 =	slt.u32 s9, $0xF7A;
	s5 =	simm.s32 @!p2 $0x0  }
0x1d: {  	s5 =	simm.s32 @p1 $0x1;
	p0 =	seq.s32 s7, s2  }
0x1e: {  	s7 =	smul.u32 @!p0 $0xF7A, s2;
	p2 =	seq.s32 @!p0 s5, $0x0  }
0x1f: {  	s9 =	smul.u32 $0xF7A, s1;
	s8 =	simm.s32 @!p0 $0x1BF5;
	p2 =	por !p2, p0  }
0x20: {  	[sflag:s8] =	ssyncset.s32 @!p0 $0xFFFFF086;
	s6 =	sadd.s32 @!p0 s3, s7;
	s7 =	simm.s32 @!p0 $0x108  }
0x21: {  	s3 =	sadd.s32 s3, s9;
	s6 =	sadd.s32 @!p0 $0x88, s6;
	s7 =	simm.s32 @p2 $0x1082  }
0x22: {  	[simem:s7], [sflag:s8] =	dma.local @!p0 [hbm:s6], $0xF7A  }
0x23: {  	s9 =	sor.u32 $0xD0000000, s2;
	s6 =	simm.s32 $0x108;
	_ =	swait.ge @!p0 [sflag:s8], $0x0  }
0x24: {  	s3 =	sadd.s32 $0x88, s3;
	s6 =	simm.s32 @!p1 $0x1082;
	[sflag:s4] =	ssyncset.s32 $0xFFFFF086  }
0x25: {  	[simem:s6], [sflag:s4] =	dma.local [hbm:s3], $0xF7A  }
0x26: {  	[smem:$0x3F9B] =	sst s1;
	(tag) =	ssettag s2;
	_ =	strace s9  }
0x27: {  	s1 =	sld [smem:$0x3FAB]  }
0x28: {  	s2 =	sld [smem:$0x3FAC]  }
0x29: {  	s4 =	sld [smem:$0x3FAE]  }
0x2a: {  	p0 =	seq.s32 s5, $0x0;
	s5 =	sld [smem:$0x3FAF]  }
0x2b: {  	s6 =	sld [smem:$0x3FB0]  }
0x2c: {  	s7 =	sld [smem:$0x3FB1]  }
0x2d: {  	s3 =	simm.s32 $0x108;
	s8 =	sld [smem:$0x3FB2]  }
0x2e: {  	s3 =	simm.s32 @!p0 $0x1082;
	s9 =	sld [smem:$0x3FB3]  }
0x2f: {  	lr =	sadd.s32 s0, s3;
	s0 =	sld [smem:$0x3FAA]  }
0x30: {  	s3 =	sld [smem:$0x3FAD]  }
0x31: {  	[smem:$0x3FB6] =	sst s10  }
0x32: {  	s10 =	sld [smem:$0x3FB4];
	_ =	sdelay $0x3  }
0x33: {  	p0 =	seq.s32 s10, $0x1;
	s10 =	sld [smem:$0x3FB6];
	_ =	sdelay $0x3  }
0x34: {  	[smem:$0x3FB6] =	sst s10  }
0x35: {  	s10 =	sld [smem:$0x3FB5];
	_ =	sdelay $0x3  }
0x36: {  	p1 =	seq.s32 s10, $0x1;
	s10 =	sld [smem:$0x3FB6];
	_ =	sdelay $0x3  }
0x37: {  	[smem:$0x3FB6] =	sst s10  }
0x38: {  	s10 =	sld [smem:$0x3FB7]  }
0x39: {  	_ = 	snop;
	(pc) =	sbr.ind lr, $3  }
0x3a: {  	_ = 	snop  }
0x3b: {  	_ = 	snop  }
0x3c: {  	p2 =	seq.s32 s10, $0x1;
	s10 =	sld [smem:$0x3FB6]  }
0x3d: {  	_ =	shalt  }
0x3e: {  	_ =	shalt  }
0x3f: {  	_ =	shalt  }
0x40: {  	_ =	shalt  }
0x41: {  	_ =	shalt  }
0x42: {  	_ =	shalt  }
0x43: {  	_ =	shalt  }
0x44: {  	_ =	shalt  }
0x45: {  	_ =	shalt  }
0x46: {  	_ =	shalt  }
0x47: {  	_ =	shalt  }
0x48: {  	_ =	shalt  }
0x49: {  	_ =	shalt  }
0x4a: {  	_ =	shalt  }
0x4b: {  	_ =	shalt  }
0x4c: {  	_ =	shalt  }
0x4d: {  	_ =	shalt  }
0x4e: {  	_ =	shalt  }
0x4f: {  	_ =	shalt  }
0x50: {  	_ =	shalt  }
0x51: {  	_ =	shalt  }
0x52: {  	_ =	shalt  }
0x53: {  	_ =	shalt  }
0x54: {  	_ =	shalt  }
0x55: {  	_ =	shalt  }
0x56: {  	_ =	shalt  }
0x57: {  	_ =	shalt  }
0x58: {  	_ =	shalt  }
0x59: {  	_ =	shalt  }
0x5a: {  	_ =	shalt  }
0x5b: {  	_ =	shalt  }
0x5c: {  	_ =	shalt  }
0x5d: {  	_ =	shalt  }
0x5e: {  	_ =	shalt  }
0x5f: {  	_ =	shalt  }
0x60: {  	_ =	shalt  }
0x61: {  	_ =	shalt  }
0x62: {  	_ =	shalt  }
0x63: {  	_ =	shalt  }
0x64: {  	_ =	shalt  }
0x65: {  	_ =	shalt  }
0x66: {  	_ =	shalt  }
0x67: {  	_ =	shalt  }
0x68: {  	_ =	shalt  }
0x69: {  	_ =	shalt  }
0x6a: {  	_ =	shalt  }
0x6b: {  	_ =	shalt  }
0x6c: {  	_ =	shalt  }
0x6d: {  	_ =	shalt  }
0x6e: {  	_ =	shalt  }
0x6f: {  	_ =	shalt  }
0x70: {  	_ =	shalt  }
0x71: {  	_ =	shalt  }
0x72: {  	_ =	shalt  }
0x73: {  	_ =	shalt  }
0x74: {  	_ =	shalt  }
0x75: {  	_ =	shalt  }
0x76: {  	_ =	shalt  }
0x77: {  	_ =	shalt  }
0x78: {  	_ =	shalt  }
0x79: {  	_ =	shalt  }
0x7a: {  	_ =	shalt  }
0x7b: {  	_ =	shalt  }
0x7c: {  	_ =	shalt  }
0x7d: {  	_ =	shalt  }
0x7e: {  	_ =	shalt  }
0x7f: {  	_ =	shalt  }
0x80: {  	_ =	shalt  }
0x81: {  	_ =	shalt  }
0x82: {  	_ =	shalt  }
0x83: {  	_ =	shalt  }
0x84: {  	_ =	shalt  }
0x85: {  	_ =	shalt  }
0x86: {  	_ =	shalt  }
0x87: {  	_ =	shalt  }
.Lfunc_end0:
.L_simem_size_0:
called_computation.1_lowered:
.L_overlay_start_0:
0x88: {  	s2 =	sld [smem:$0x3FD9]  }
0x89: {  	s3 =	sld [smem:$0x3FFE];
	_ =	sdelay $0x1  }
0x8a: {  	s1 =	srdreg.scid  }
0x8b: {  	s0 =	sand.u32 $0x1, s1  }
0x8c: {  	s16 =	sshll.u32 s0, $0xA;
	s2 =	sadd.s32 s3, s2  }
0x8d: {  	s2 =	sadd.s32 s2, s16  }
0x8e: {  	[smem:$0x3FC2] =	sst s2  }
0x8f: {  	_ = 	snop  }
0x90: {  	(tm) =	ssettm $0x1  }
0x91: {  	s17 =	sld [smem:$0x3FFB];
	_ =	sdelay $0x3  }
0x92: {  	_ =	strace s17  }
0x93: {  	s2 =	sld [smem:$0x3FFC];
	_ =	sdelay $0x3  }
0x94: {  	_ =	strace s2  }
0x95: {  	s2 =	sld [smem:$0x3FFD];
	_ =	sdelay $0x3  }
0x96: {  	_ =	strace s2  }
0x97: {  	_ =	strace $0x8FFFFFFF  }
0x98: {  	s18 =	sld [smem:$0x3FDB];
	_ =	sdelay $0x1  }
0x99: {  	s19 =	simm.s32 $_scs_section_size  }
0x9a: {  	s4 =	simm.s32 $_size__tile_overlayer_lowered;
	s5 =	simm.s32 $_tile_overlayer_lowered  }
0x9b: {  	s22 =	simm.s32 $0x1BFF;
	s21 =	sshll.u32 s5, $0x1;
	s2 =	sadd.s32 s19, s18  }
0x9c: {  	s6 =	simm.s32 $0x0;
	s20 =	sshll.u32 s4, $0x1;
	s4 =	sadd.s32 s21, s2  }
0x9d: {  	[timem:s6], [sflag:s22] =	dma.local [hbm:s4], s20  }
0x9e: {  	_ =	swait.ge [sflag:s22], s20  }
0x9f: {  	s3 =	ssub.s32 $0x0, s20;
	[sflag:s22] =	ssyncset.done $0x0  }
0xa0: {  	[sflag:s22] =	ssyncadd.s32 s3;
	_ =	sdelay $0x1  }
0xa1: {  	s23 =	simm.s32 $0x1B8B  }
0xa2: {  	_ =	swait.ge [sflag:s23], $0x1  }
0xa3: {  	[sflag:s23] =	ssyncset.done $0x0  }
0xa4: {  	s25 =	simm.s32 $0x1B8E;
	s24 =	sld [smem:$0x3FFE];
	[sflag:s23] =	ssyncadd.s32 $0xFFFFFFFF  }
0xa5: {  	s26 =	simm.s32 $execute0_lowered;
	[smem:$0x3FD2] =	sst s25  }
0xa6: {  	s4 =	sshll.u32 s26, $0x1;
	_ =	strace $0x80000049;
	[dreg:$0x1] =	wrdreg $0xFFFFFFFF  }
0xa7: {  	s28 =	simm.s32 $_size_execute0_lowered;
	s2 =	sadd.s32 s2, s4;
	[dreg:$0x0] =	wrdreg $0x0  }
0xa8: {  	s4 =	sshll.u32 s28, $0x1;
	[dreg:$0x2] =	wrdreg s2  }
0xa9: {  	[dreg:$0x3] =	wrdreg s4  }
0xaa: {  	[dreg:$0x4] =	wrdreg $0xC0  }
0xab: {  	_ =	task [dreg:s6], $0x5FFFF  }
0xac: {  	[dreg:$0x1] =	wrdreg $0xFFFFFFFF  }
0xad: {  	[dreg:$0x0] =	wrdreg $0x60  }
0xae: {  	[dreg:$0x2] =	wrdreg s24  }
0xaf: {  	[dreg:$0x3] =	wrdreg $0x190000  }
0xb0: {  	[dreg:$0x4] =	wrdreg $0x9  }
0xb1: {  	_ =	task.clear_ibuf [dreg:s6], $0x5FFFF;
	_ =	strace $0x90000049  }
0xb2: {  	s29 =	simm.s32 $0x9;
	_ =	strace $0x8000004B  }
0xb3: {  	_ =	swait.ge [sflag:s29], $0x1  }
0xb4: {  	[sflag:s29] =	ssyncadd.s32 $0xFFFFFFFF  }
0xb5: {  	_ =	strace $0x9000004B  }
0xb6: {  	_ =	sfence  }
0xb7: {  	s30 =	sld [smem:$0x0];
	_ =	sdelay $0x2  }
0xb8: {  	s31 =	sshll.u32 s1, $0xD;
	s1 =	sshrl.u32 s1, $0x2  }
0xb9: {  	s3 =	sand.u32 $0x4000, s31;
	s1 =	sadd.s32 s1, s30  }
0xba: {  	s0 =	sor.u32 s3, s0;
	s1 =	sshll.u32 s1, $0x11  }
0xbb: {  	s0 =	sor.u32 s1, s0  }
0xbc: {  	s0 =	sadd.s32 $0x8F2B, s0  }
0xbd: {  	[sflag:s0] =	ssyncadd.remote.s32 $0x1  }
0xbe: {  	_ =	sfence.sel $0xFFFF  }
0xbf: {  	[dreg:$0x0] =	wrdreg $0xFFFFFFFF;
	(pc) =	sbr.abs _section_cstart, $3  }
0xc0: {  	[dreg:$0x1] =	wrdreg $0xFFFFFFFF  }
0xc1: {  	_ =	task.clear_ibuf [dreg:s6], $0x2FFFF;
	_ =	strace $0x9FFFFFFF  }
0xc2: {  	(tm) =	ssettm $0x7FFFFFFF  }
0xc3: {  	_ =	shalt  }
tec
execute0_lowered:
.L_overlay_start_1:
0x0: {  	(tag) =	ssettag $0x1  }
0x1: {  	s0 =	srdreg.scid;
	s3 =	rddreg [dreg:$0x0]  }
0x2: {  	s17 =	stileid.u32;
	s2 =	rddreg [dreg:$0x1]  }
0x3: {  	s23 =	simm.s32 $0x0;
	s31 =	simm.s32 $0x2800;
	s18 =	simm.s32 $0x800  }
0x4: {  	s19 =	simm.s32 $0xC00;
	s20 =	simm.s32 $0x1000;
	s21 =	simm.s32 $0x1400  }
0x5: {  	s11 =	simm.s32 $0x11000;
	s22 =	simm.s32 $0x2C00;
	s10 =	simm.s32 $0x15000  }
0x6: {  	s24 =	simm.s32 $0x1800;
	s9 =	simm.s32 $0x2;
	s25 =	simm.s32 $0x3000  }
0x7: {  	s26 =	simm.s32 $0x1C00;
	s30 =	simm.s32 $0x2000;
	[smem:$0x7FF] =	sst s23  }
0x8: {  	s29 =	simm.s32 $0x3800;
	_ =	strace $0x8000004A;
	[dreg:$0x7] =	wrdreg s18  }
0x9: {  	p0 =	por $0x0, $0x0;
	s28 =	simm.s32 $0x3C00;
	[dreg:$0x8] =	wrdreg s19  }
0xa: {  	s0 =	sand.u32 $0x1, s0;
	s4 =	smul.u32 $0x2800, s17;
	[dreg:$0x9] =	wrdreg s20  }
0xb: {  	s1 =	sshll.u32 s17, $0x1;
	s6 =	smul.u32 $0x14000, s17;
	[dreg:$0xa] =	wrdreg s21  }
0xc: {  	s8 =	sadd.s32 $0x16E00, s3;
	s15 =	sshll.u32 s17, $0x6;
	[dreg:$0xb] =	wrdreg s22  }
0xd: {  	s1 =	sor.u32 s0, s1;
	s5 =	smul.u32 $0x140000, s0;
	[dreg:$0xc] =	wrdreg s24  }
0xe: {  	s0 =	ssub.s32 $0x2, s0;
	s20 =	simm.s32 $0x3;
	[dreg:$0xd] =	wrdreg s25  }
0xf: {  	s18 =	simm.s32 $0x4;
	[dreg:$0xe] =	wrdreg s26;
	s26 =	simm.s32 $0x2400  }
0x10: {  	s25 =	simm.s32 $0x4000;
	s24 =	simm.s32 $0x4400;
	s22 =	simm.s32 $0x4800  }
0x11: {  	s21 =	simm.s32 $0x4C00;
	s19 =	simm.s32 $0x10;
	s1 =	smul.u32 $0x2800, s1  }
0x12: {  	s7 =	sshrl.u32 s4, $0x3;
	s13 =	sshrl.u32 s0, $0x1;
	s4 =	sadd.s32 s4, s2  }
0x13: {  	s5 =	sadd.s32 s6, s5;
	s12 =	sadd.s32 s7, s3;
	s0 =	ssub.s32 s0, s13  }
0x14: {  	s7 =	simm.s32 $0x400;
	s13 =	simm.s32 $0x9000;
	s1 =	sshrl.u32 s1, $0x3  }
0x15: {  	s5 =	sshrl.u32 s5, $0x3;
	s6 =	sadd.s32 $0x3E000, s12;
	s0 =	smax.u32 s0, $0x1  }
0x16: {  	s12 =	simm.s32 $0xD000;
	s1 =	sadd.s32 s1, s3;
	s3 =	sadd.s32 s5, s3  }
0x17: {  	[dreg:$0x3] =	wrdreg s6;
	s5 =	sshrl.u32 s4, $0x3;
	p1 =	sne.s32 s0, $0x1  }
.Ltmp0:
0x18: {  	s4 =	simm.s32 $0x7;
	s14 =	sadd.s32 $0x2E00, s1;
	(pc) =	sbr.rel @!p1 .LBB2_1-.Ltmp0, $4  }
0x19: {  	s6 =	simm.s32 $0x1;
	s1 =	sadd.s32 $0xCE00, s1;
	[dreg:$0x4] =	wrdreg s14  }
0x1a: {  	s16 =	sadd.s32 $0x43000, s3;
	s3 =	sor.u32 $0x1C07, s15;
	[dreg:$0x5] =	wrdreg s1  }
0x1b: {  	s15 =	simm.s32 $0x5000;
	[dreg:$0x6] =	wrdreg s16;
	s16 =	simm.s32 $0x5  }
0x1c: {  	s14 =	simm.s32 $0x6;
	s1 =	sadd.s32 $0xFFFFFFFF, s0;
	s0 =	rddreg [dreg:$0x3]  }
0x1d: {  	[spmem:s5], [sflag:s3] =	dma.local [hbm:s0], $0x500  }
0x1e: {  	_ =	swait.ge [sflag:s4], $0x500  }
0x1f: {  	[sflag:s4] =	ssyncset.done $0x0  }
0x20: {  	[sflag:s4] =	ssyncadd.s32 $0xFFFFFB00  }
0x21: {  	[bflag:$0x0] =	sbarrier.arrive $0xFFFF  }
0x22: {  	s0 =	rddreg [dreg:$0x4]  }
0x23: {  	[tilespmem:s23], [sflag:$0x1] =	stream.linear.gather [hbm4b:s0+s23], $0x2800, $0x38;
	[tilespmem:$0x1B800] =	vst v63  }
0x24: {  	s17 =	smov.u32 s1;
	s1 =	rddreg [dreg:$0x5]  }
0x25: {  	[tilespmem:s31], [sflag:$0x1] =	stream.linear.gather [hbm4b:s1+s23], $0x2800, $0x38;
	[tilespmem:$0x1B800] =	vst v63  }
0x26: {  	_ =	swait.ge [sflag:s6], $0x2800  }
0x27: {  	[sflag:s6] =	ssyncset.done $0x0  }
0x28: {  	[sflag:s6] =	ssyncadd.s32 $0xFFFFD800  }
0x29: {  	_ =	swait.ge [sflag:s6], $0x2800  }
0x2a: {  	[sflag:s6] =	ssyncset.done $0x0  }
0x2b: {  	[sflag:s6] =	ssyncadd.s32 $0xFFFFD800  }
0x2c: {  	[tilespmem:s15], [sflag:$0x2] =	stream.indirect.gather [hbm4b:s8+s7], $0x10, s23, s7, $0xb8;
	[tilespmem:$0x1B800] =	vst v63  }
0x2d: {  	_ = 	snop  }
0x2e: {  	[tilespmem:s13], [sflag:$0x3] =	stream.indirect.gather [hbm4b:s8+s7], $0x10, s7, s7, $0xb8;
	[tilespmem:$0x1B800] =	vst v63  }
0x2f: {  	s0 =	rddreg [dreg:$0x7]  }
0x30: {  	[tilespmem:s12], [sflag:$0x4] =	stream.indirect.gather [hbm4b:s8+s7], $0x10, s0, s7, $0xb8;
	[tilespmem:$0x1B800] =	vst v63  }
0x31: {  	s1 =	rddreg [dreg:$0x8]  }
0x32: {  	[tilespmem:s11], [sflag:$0x5] =	stream.indirect.gather [hbm4b:s8+s7], $0x10, s1, s7, $0xb8;
	[tilespmem:$0x1B800] =	vst v63  }
0x33: {  	s0 =	rddreg [dreg:$0x9]  }
0x34: {  	[tilespmem:s10], [sflag:$0x6] =	stream.indirect.gather [hbm4b:s8+s7], $0x10, s0, s7, $0xb8;
	[tilespmem:$0x1B800] =	vst v63  }
0x35: {  	_ =	swait.ge [sflag:s9], $0x4000  }
0x36: {  	[sflag:s9] =	ssyncset.done $0x0  }
0x37: {  	[sflag:s9] =	ssyncadd.s32 $0xFFFFC000  }
0x38: {  	[spmem:s2] =	stream.indirect.scatter.add.f32 [tilespmem:s15], [sflag:$0x7], $0x10, s31, s7, $0xb8;
	[tilespmem:$0x1B800] =	vst v63  }
0x39: {  	_ =	swait.ge [sflag:s4], $0x4000  }
0x3a: {  	[sflag:s4] =	ssyncset.done $0x0  }
0x3b: {  	s1 =	rddreg [dreg:$0xa];
	[sflag:s4] =	ssyncadd.s32 $0xFFFFC000  }
0x3c: {  	[tilespmem:s15], [sflag:$0x2] =	stream.indirect.gather [hbm4b:s8+s7], $0x10, s1, s7, $0xb8;
	[tilespmem:$0x1B800] =	vst v63  }
0x3d: {  	_ =	swait.ge [sflag:s20], $0x4000  }
0x3e: {  	[sflag:s20] =	ssyncset.done $0x0  }
0x3f: {  	s1 =	rddreg [dreg:$0xb];
	[sflag:s20] =	ssyncadd.s32 $0xFFFFC000  }
0x40: {  	[spmem:s2] =	stream.indirect.scatter.add.f32 [tilespmem:s13], [sflag:$0x7], $0x10, s1, s7, $0xb8;
	[tilespmem:$0x1B800] =	vst v63  }
0x41: {  	_ =	swait.ge [sflag:s4], $0x4000  }
0x42: {  	[sflag:s4] =	ssyncset.done $0x0  }
0x43: {  	s1 =	rddreg [dreg:$0xc];
	[sflag:s4] =	ssyncadd.s32 $0xFFFFC000  }
0x44: {  	[tilespmem:s13], [sflag:$0x3] =	stream.indirect.gather [hbm4b:s8+s7], $0x10, s1, s7, $0xb8;
	[tilespmem:$0x1B800] =	vst v63  }
0x45: {  	_ =	swait.ge [sflag:s18], $0x4000  }
0x46: {  	[sflag:s18] =	ssyncset.done $0x0  }
0x47: {  	s1 =	rddreg [dreg:$0xd];
	[sflag:s18] =	ssyncadd.s32 $0xFFFFC000  }
0x48: {  	[spmem:s2] =	stream.indirect.scatter.add.f32 [tilespmem:s12], [sflag:$0x7], $0x10, s1, s7, $0xb8;
	[tilespmem:$0x1B800] =	vst v63  }
0x49: {  	_ =	swait.ge [sflag:s4], $0x4000  }
0x4a: {  	[sflag:s4] =	ssyncset.done $0x0  }
0x4b: {  	s1 =	rddreg [dreg:$0xe];
	[sflag:s4] =	ssyncadd.s32 $0xFFFFC000  }
0x4c: {  	[tilespmem:s12], [sflag:$0x4] =	stream.indirect.gather [hbm4b:s8+s7], $0x10, s1, s7, $0xb8;
	[tilespmem:$0x1B800] =	vst v63  }
0x4d: {  	_ =	swait.ge [sflag:s16], $0x4000  }
0x4e: {  	[sflag:s16] =	ssyncset.done $0x0  }
0x4f: {  	s1 =	simm.s32 $0x3400;
	[sflag:s16] =	ssyncadd.s32 $0xFFFFC000  }
0x50: {  	[spmem:s2] =	stream.indirect.scatter.add.f32 [tilespmem:s11], [sflag:$0x7], $0x10, s1, s7, $0xb8;
	[tilespmem:$0x1B800] =	vst v63  }
0x51: {  	_ =	swait.ge [sflag:s4], $0x4000  }
0x52: {  	[sflag:s4] =	ssyncset.done $0x0  }
0x53: {  	[sflag:s4] =	ssyncadd.s32 $0xFFFFC000  }
0x54: {  	[tilespmem:s11], [sflag:$0x5] =	stream.indirect.gather [hbm4b:s8+s7], $0x10, s30, s7, $0xb8;
	[tilespmem:$0x1B800] =	vst v63  }
0x55: {  	_ =	swait.ge [sflag:s14], $0x4000  }
0x56: {  	[sflag:s14] =	ssyncset.done $0x0  }
0x57: {  	[sflag:s14] =	ssyncadd.s32 $0xFFFFC000  }
0x58: {  	[spmem:s2] =	stream.indirect.scatter.add.f32 [tilespmem:s10], [sflag:$0x7], $0x10, s29, s7, $0xb8;
	[tilespmem:$0x1B800] =	vst v63  }
0x59: {  	_ =	swait.ge [sflag:s4], $0x4000  }
0x5a: {  	[sflag:s4] =	ssyncset.done $0x0  }
0x5b: {  	[sflag:s4] =	ssyncadd.s32 $0xFFFFC000  }
0x5c: {  	[tilespmem:s10], [sflag:$0x6] =	stream.indirect.gather [hbm4b:s8+s7], $0x10, s26, s7, $0xb8;
	[tilespmem:$0x1B800] =	vst v63  }
0x5d: {  	_ =	swait.ge [sflag:s9], $0x4000  }
0x5e: {  	[sflag:s9] =	ssyncset.done $0x0  }
0x5f: {  	[sflag:s9] =	ssyncadd.s32 $0xFFFFC000  }
0x60: {  	[spmem:s2] =	stream.indirect.scatter.add.f32 [tilespmem:s15], [sflag:$0x7], $0x10, s28, s7, $0xb8;
	[tilespmem:$0x1B800] =	vst v63  }
0x61: {  	_ =	swait.ge [sflag:s4], $0x4000  }
0x62: {  	[sflag:s4] =	ssyncset.done $0x0  }
0x63: {  	[sflag:s4] =	ssyncadd.s32 $0xFFFFC000  }
0x64: {  	_ =	swait.ge [sflag:s20], $0x4000  }
0x65: {  	[sflag:s20] =	ssyncset.done $0x0  }
0x66: {  	[sflag:s20] =	ssyncadd.s32 $0xFFFFC000  }
0x67: {  	[spmem:s2] =	stream.indirect.scatter.add.f32 [tilespmem:s13], [sflag:$0x7], $0x10, s25, s7, $0xb8;
	[tilespmem:$0x1B800] =	vst v63  }
0x68: {  	_ =	swait.ge [sflag:s4], $0x4000  }
0x69: {  	[sflag:s4] =	ssyncset.done $0x0  }
0x6a: {  	[sflag:s4] =	ssyncadd.s32 $0xFFFFC000  }
0x6b: {  	_ =	swait.ge [sflag:s18], $0x4000  }
0x6c: {  	[sflag:s18] =	ssyncset.done $0x0  }
0x6d: {  	[sflag:s18] =	ssyncadd.s32 $0xFFFFC000  }
0x6e: {  	[spmem:s2] =	stream.indirect.scatter.add.f32 [tilespmem:s12], [sflag:$0x7], $0x10, s24, s7, $0xb8;
	[tilespmem:$0x1B800] =	vst v63  }
0x6f: {  	_ =	swait.ge [sflag:s4], $0x4000  }
0x70: {  	[sflag:s4] =	ssyncset.done $0x0  }
0x71: {  	[sflag:s4] =	ssyncadd.s32 $0xFFFFC000  }
0x72: {  	_ =	swait.ge [sflag:s16], $0x4000  }
0x73: {  	[sflag:s16] =	ssyncset.done $0x0  }
0x74: {  	[sflag:s16] =	ssyncadd.s32 $0xFFFFC000  }
0x75: {  	[spmem:s2] =	stream.indirect.scatter.add.f32 [tilespmem:s11], [sflag:$0x7], $0x10, s22, s7, $0xb8;
	[tilespmem:$0x1B800] =	vst v63  }
0x76: {  	_ =	swait.ge [sflag:s4], $0x4000  }
0x77: {  	[sflag:s4] =	ssyncset.done $0x0  }
0x78: {  	[sflag:s4] =	ssyncadd.s32 $0xFFFFC000  }
0x79: {  	_ =	swait.ge [sflag:s14], $0x4000  }
0x7a: {  	[sflag:s14] =	ssyncset.done $0x0  }
0x7b: {  	[sflag:s14] =	ssyncadd.s32 $0xFFFFC000  }
0x7c: {  	[spmem:s2] =	stream.indirect.scatter.add.f32 [tilespmem:s10], [sflag:$0x7], $0x10, s21, s7, $0xb8;
	[tilespmem:$0x1B800] =	vst v63  }
0x7d: {  	_ =	swait.ge [sflag:s4], $0x4000  }
0x7e: {  	[sflag:s4] =	ssyncset.done $0x0  }
0x7f: {  	p1 =	sne.s32 s17, $0x1;
	[sflag:s4] =	ssyncadd.s32 $0xFFFFC000  }
.Ltmp1:
0x80: {  	[bflag:$0x0] =	sbarrier.arrive $0xFFFF;
	(pc) =	sbr.rel @!p1 .LBB2_3-.Ltmp1, $4  }
0x81: {  	s1 =	rddreg [dreg:$0x6]  }
0x82: {  	[hbm:s1@s19], [sflag:s3] =	dma.strided [spmem:s5@s9], $0x500, s6, $0x2   }
0x83: {  	p0 =	por $0x1, $0x1;
	_ =	swait.ge [sflag:s4], $0x500  }
0x84: {  	s1 =	sadd.s32 $0xFFFFFFFF, s17;
	s0 =	rddreg [dreg:$0x3];
	[sflag:s4] =	ssyncset.done $0x0  }
.LBB2_4:
0x85: {  	[sflag:s4] =	ssyncadd.s32 $0xFFFFFB00  }
0x86: {  	[spmem:s5], [sflag:s3] =	dma.local [hbm:s0], $0x500  }
0x87: {  	_ =	swait.ge [sflag:s4], $0x500  }
0x88: {  	[sflag:s4] =	ssyncset.done $0x0  }
0x89: {  	[sflag:s4] =	ssyncadd.s32 $0xFFFFFB00  }
0x8a: {  	[bflag:$0x0] =	sbarrier.arrive $0xFFFF  }
0x8b: {  	s0 =	rddreg [dreg:$0x4]  }
0x8c: {  	[tilespmem:s23], [sflag:$0x1] =	stream.linear.gather [hbm4b:s0+s23], $0x2800, $0x38;
	[tilespmem:$0x1B800] =	vst v63  }
0x8d: {  	s17 =	rddreg [dreg:$0x5]  }
0x8e: {  	[tilespmem:s31], [sflag:$0x1] =	stream.linear.gather [hbm4b:s17+s23], $0x2800, $0x38;
	[tilespmem:$0x1B800] =	vst v63  }
0x8f: {  	_ =	swait.ge [sflag:s6], $0x2800  }
0x90: {  	[sflag:s6] =	ssyncset.done $0x0  }
0x91: {  	[sflag:s6] =	ssyncadd.s32 $0xFFFFD800  }
0x92: {  	_ =	swait.ge [sflag:s6], $0x2800  }
0x93: {  	[sflag:s6] =	ssyncset.done $0x0  }
0x94: {  	[sflag:s6] =	ssyncadd.s32 $0xFFFFD800  }
0x95: {  	[tilespmem:s15], [sflag:$0x2] =	stream.indirect.gather [hbm4b:s8+s7], $0x10, s23, s7, $0xb8;
	[tilespmem:$0x1B800] =	vst v63  }
0x96: {  	_ = 	snop  }
0x97: {  	[tilespmem:s13], [sflag:$0x3] =	stream.indirect.gather [hbm4b:s8+s7], $0x10, s7, s7, $0xb8;
	[tilespmem:$0x1B800] =	vst v63  }
0x98: {  	s0 =	rddreg [dreg:$0x7]  }
0x99: {  	[tilespmem:s12], [sflag:$0x4] =	stream.indirect.gather [hbm4b:s8+s7], $0x10, s0, s7, $0xb8;
	[tilespmem:$0x1B800] =	vst v63  }
0x9a: {  	s17 =	rddreg [dreg:$0x8]  }
0x9b: {  	[tilespmem:s11], [sflag:$0x5] =	stream.indirect.gather [hbm4b:s8+s7], $0x10, s17, s7, $0xb8;
	[tilespmem:$0x1B800] =	vst v63  }
0x9c: {  	s0 =	rddreg [dreg:$0x9]  }
0x9d: {  	[tilespmem:s10], [sflag:$0x6] =	stream.indirect.gather [hbm4b:s8+s7], $0x10, s0, s7, $0xb8;
	[tilespmem:$0x1B800] =	vst v63  }
0x9e: {  	_ =	swait.ge [sflag:s9], $0x4000  }
0x9f: {  	[sflag:s9] =	ssyncset.done $0x0  }
0xa0: {  	[sflag:s9] =	ssyncadd.s32 $0xFFFFC000  }
0xa1: {  	[spmem:s2] =	stream.indirect.scatter.add.f32 [tilespmem:s15], [sflag:$0x7], $0x10, s31, s7, $0xb8;
	[tilespmem:$0x1B800] =	vst v63  }
0xa2: {  	_ =	swait.ge [sflag:s4], $0x4000  }
0xa3: {  	[sflag:s4] =	ssyncset.done $0x0  }
0xa4: {  	s17 =	rddreg [dreg:$0xa];
	[sflag:s4] =	ssyncadd.s32 $0xFFFFC000  }
0xa5: {  	[tilespmem:s15], [sflag:$0x2] =	stream.indirect.gather [hbm4b:s8+s7], $0x10, s17, s7, $0xb8;
	[tilespmem:$0x1B800] =	vst v63  }
0xa6: {  	_ =	swait.ge [sflag:s20], $0x4000  }
0xa7: {  	[sflag:s20] =	ssyncset.done $0x0  }
0xa8: {  	s17 =	rddreg [dreg:$0xb];
	[sflag:s20] =	ssyncadd.s32 $0xFFFFC000  }
0xa9: {  	[spmem:s2] =	stream.indirect.scatter.add.f32 [tilespmem:s13], [sflag:$0x7], $0x10, s17, s7, $0xb8;
	[tilespmem:$0x1B800] =	vst v63  }
0xaa: {  	_ =	swait.ge [sflag:s4], $0x4000  }
0xab: {  	[sflag:s4] =	ssyncset.done $0x0  }
0xac: {  	s17 =	rddreg [dreg:$0xc];
	[sflag:s4] =	ssyncadd.s32 $0xFFFFC000  }
0xad: {  	[tilespmem:s13], [sflag:$0x3] =	stream.indirect.gather [hbm4b:s8+s7], $0x10, s17, s7, $0xb8;
	[tilespmem:$0x1B800] =	vst v63  }
0xae: {  	_ =	swait.ge [sflag:s18], $0x4000  }
0xaf: {  	[sflag:s18] =	ssyncset.done $0x0  }
0xb0: {  	s17 =	rddreg [dreg:$0xd];
	[sflag:s18] =	ssyncadd.s32 $0xFFFFC000  }
0xb1: {  	[spmem:s2] =	stream.indirect.scatter.add.f32 [tilespmem:s12], [sflag:$0x7], $0x10, s17, s7, $0xb8;
	[tilespmem:$0x1B800] =	vst v63  }
0xb2: {  	_ =	swait.ge [sflag:s4], $0x4000  }
0xb3: {  	[sflag:s4] =	ssyncset.done $0x0  }
0xb4: {  	s17 =	rddreg [dreg:$0xe];
	[sflag:s4] =	ssyncadd.s32 $0xFFFFC000  }
0xb5: {  	[tilespmem:s12], [sflag:$0x4] =	stream.indirect.gather [hbm4b:s8+s7], $0x10, s17, s7, $0xb8;
	[tilespmem:$0x1B800] =	vst v63  }
0xb6: {  	_ =	swait.ge [sflag:s16], $0x4000  }
0xb7: {  	[sflag:s16] =	ssyncset.done $0x0  }
0xb8: {  	s17 =	simm.s32 $0x3400;
	[sflag:s16] =	ssyncadd.s32 $0xFFFFC000  }
0xb9: {  	[spmem:s2] =	stream.indirect.scatter.add.f32 [tilespmem:s11], [sflag:$0x7], $0x10, s17, s7, $0xb8;
	[tilespmem:$0x1B800] =	vst v63  }
0xba: {  	_ =	swait.ge [sflag:s4], $0x4000  }
0xbb: {  	[sflag:s4] =	ssyncset.done $0x0  }
0xbc: {  	[sflag:s4] =	ssyncadd.s32 $0xFFFFC000  }
0xbd: {  	[tilespmem:s11], [sflag:$0x5] =	stream.indirect.gather [hbm4b:s8+s7], $0x10, s30, s7, $0xb8;
	[tilespmem:$0x1B800] =	vst v63  }
0xbe: {  	_ =	swait.ge [sflag:s14], $0x4000  }
0xbf: {  	[sflag:s14] =	ssyncset.done $0x0  }
0xc0: {  	[sflag:s14] =	ssyncadd.s32 $0xFFFFC000  }
0xc1: {  	[spmem:s2] =	stream.indirect.scatter.add.f32 [tilespmem:s10], [sflag:$0x7], $0x10, s29, s7, $0xb8;
	[tilespmem:$0x1B800] =	vst v63  }
0xc2: {  	_ =	swait.ge [sflag:s4], $0x4000  }
0xc3: {  	[sflag:s4] =	ssyncset.done $0x0  }
0xc4: {  	[sflag:s4] =	ssyncadd.s32 $0xFFFFC000  }
0xc5: {  	[tilespmem:s10], [sflag:$0x6] =	stream.indirect.gather [hbm4b:s8+s7], $0x10, s26, s7, $0xb8;
	[tilespmem:$0x1B800] =	vst v63  }
0xc6: {  	_ =	swait.ge [sflag:s9], $0x4000  }
0xc7: {  	[sflag:s9] =	ssyncset.done $0x0  }
0xc8: {  	[sflag:s9] =	ssyncadd.s32 $0xFFFFC000  }
0xc9: {  	[spmem:s2] =	stream.indirect.scatter.add.f32 [tilespmem:s15], [sflag:$0x7], $0x10, s28, s7, $0xb8;
	[tilespmem:$0x1B800] =	vst v63  }
0xca: {  	_ =	swait.ge [sflag:s4], $0x4000  }
0xcb: {  	[sflag:s4] =	ssyncset.done $0x0  }
0xcc: {  	[sflag:s4] =	ssyncadd.s32 $0xFFFFC000  }
0xcd: {  	_ =	swait.ge [sflag:s20], $0x4000  }
0xce: {  	[sflag:s20] =	ssyncset.done $0x0  }
0xcf: {  	[sflag:s20] =	ssyncadd.s32 $0xFFFFC000  }
0xd0: {  	[spmem:s2] =	stream.indirect.scatter.add.f32 [tilespmem:s13], [sflag:$0x7], $0x10, s25, s7, $0xb8;
	[tilespmem:$0x1B800] =	vst v63  }
0xd1: {  	_ =	swait.ge [sflag:s4], $0x4000  }
0xd2: {  	[sflag:s4] =	ssyncset.done $0x0  }
0xd3: {  	[sflag:s4] =	ssyncadd.s32 $0xFFFFC000  }
0xd4: {  	_ =	swait.ge [sflag:s18], $0x4000  }
0xd5: {  	[sflag:s18] =	ssyncset.done $0x0  }
0xd6: {  	[sflag:s18] =	ssyncadd.s32 $0xFFFFC000  }
0xd7: {  	[spmem:s2] =	stream.indirect.scatter.add.f32 [tilespmem:s12], [sflag:$0x7], $0x10, s24, s7, $0xb8;
	[tilespmem:$0x1B800] =	vst v63  }
0xd8: {  	_ =	swait.ge [sflag:s4], $0x4000  }
0xd9: {  	[sflag:s4] =	ssyncset.done $0x0  }
0xda: {  	[sflag:s4] =	ssyncadd.s32 $0xFFFFC000  }
0xdb: {  	_ =	swait.ge [sflag:s16], $0x4000  }
0xdc: {  	[sflag:s16] =	ssyncset.done $0x0  }
0xdd: {  	[sflag:s16] =	ssyncadd.s32 $0xFFFFC000  }
0xde: {  	[spmem:s2] =	stream.indirect.scatter.add.f32 [tilespmem:s11], [sflag:$0x7], $0x10, s22, s7, $0xb8;
	[tilespmem:$0x1B800] =	vst v63  }
0xdf: {  	_ =	swait.ge [sflag:s4], $0x4000  }
0xe0: {  	[sflag:s4] =	ssyncset.done $0x0  }
0xe1: {  	[sflag:s4] =	ssyncadd.s32 $0xFFFFC000  }
0xe2: {  	_ =	swait.ge [sflag:s14], $0x4000  }
0xe3: {  	[sflag:s14] =	ssyncset.done $0x0  }
0xe4: {  	[sflag:s14] =	ssyncadd.s32 $0xFFFFC000  }
0xe5: {  	[spmem:s2] =	stream.indirect.scatter.add.f32 [tilespmem:s10], [sflag:$0x7], $0x10, s21, s7, $0xb8;
	[tilespmem:$0x1B800] =	vst v63  }
0xe6: {  	_ =	swait.ge [sflag:s4], $0x4000  }
0xe7: {  	[sflag:s4] =	ssyncset.done $0x0  }
0xe8: {  	p1 =	sne.s32 s1, $0x1;
	[sflag:s4] =	ssyncadd.s32 $0xFFFFC000  }
.Ltmp2:
0xe9: {  	[bflag:$0x0] =	sbarrier.arrive $0xFFFF;
	(pc) =	sbr.rel @p1 .LBB2_4-.Ltmp2, $4  }
0xea: {  	s17 =	rddreg [dreg:$0x6]  }
0xeb: {  	[hbm:s17@s19], [sflag:s3] =	dma.strided [spmem:s5@s9], $0x500, s6, $0x2   }
0xec: {  	_ =	swait.ge [sflag:s4], $0x500  }
0xed: {  	s1 =	sadd.s32 $0xFFFFFFFF, s1;
	s0 =	rddreg [dreg:$0x3];
	[sflag:s4] =	ssyncset.done $0x0  }
0xee: {  	s19 =	simm.s32 $0x3400  }
0xef: {  	s30 =	simm.s32 $0x2000;
	s29 =	simm.s32 $0x3800;
	s28 =	simm.s32 $0x3C00  }
0xf0: {  	s26 =	simm.s32 $0x2400;
	s25 =	simm.s32 $0x4000;
	s24 =	simm.s32 $0x4400  }
0xf1: {  	s22 =	simm.s32 $0x4800;
	s21 =	simm.s32 $0x4C00;
	s17 =	stileid.u32  }
.LBB2_6:
0xf2: {  	[sflag:s4] =	ssyncadd.s32 @p0 $0xFFFFFB00  }
0xf3: {  	[spmem:s5], [sflag:s3] =	dma.local [hbm:s0], $0x500  }
0xf4: {  	_ =	swait.ge [sflag:s4], $0x500  }
0xf5: {  	[sflag:s4] =	ssyncset.done $0x0  }
0xf6: {  	[sflag:s4] =	ssyncadd.s32 $0xFFFFFB00  }
0xf7: {  	[bflag:$0x0] =	sbarrier.arrive $0xFFFF  }
0xf8: {  	s0 =	rddreg [dreg:$0x4]  }
0xf9: {  	[tilespmem:s23], [sflag:$0x1] =	stream.linear.gather [hbm4b:s0+s23], $0x2800, $0x38;
	[tilespmem:$0x1B800] =	vst v63  }
0xfa: {  	s1 =	rddreg [dreg:$0x5]  }
0xfb: {  	[tilespmem:s31], [sflag:$0x1] =	stream.linear.gather [hbm4b:s1+s23], $0x2800, $0x38;
	[tilespmem:$0x1B800] =	vst v63  }
0xfc: {  	_ =	swait.ge [sflag:s6], $0x2800  }
0xfd: {  	[sflag:s6] =	ssyncset.done $0x0  }
0xfe: {  	[sflag:s6] =	ssyncadd.s32 $0xFFFFD800  }
0xff: {  	_ =	swait.ge [sflag:s6], $0x2800  }
0x100: {  	[sflag:s6] =	ssyncset.done $0x0  }
0x101: {  	[sflag:s6] =	ssyncadd.s32 $0xFFFFD800  }
0x102: {  	[tilespmem:s15], [sflag:$0x2] =	stream.indirect.gather [hbm4b:s8+s7], $0x10, s23, s7, $0xb8;
	[tilespmem:$0x1B800] =	vst v63  }
0x103: {  	_ = 	snop  }
0x104: {  	[tilespmem:s13], [sflag:$0x3] =	stream.indirect.gather [hbm4b:s8+s7], $0x10, s7, s7, $0xb8;
	[tilespmem:$0x1B800] =	vst v63  }
0x105: {  	s23 =	rddreg [dreg:$0x7]  }
0x106: {  	[tilespmem:s12], [sflag:$0x4] =	stream.indirect.gather [hbm4b:s8+s7], $0x10, s23, s7, $0xb8;
	[tilespmem:$0x1B800] =	vst v63  }
0x107: {  	s1 =	rddreg [dreg:$0x8]  }
0x108: {  	[tilespmem:s11], [sflag:$0x5] =	stream.indirect.gather [hbm4b:s8+s7], $0x10, s1, s7, $0xb8;
	[tilespmem:$0x1B800] =	vst v63  }
0x109: {  	s23 =	rddreg [dreg:$0x9]  }
0x10a: {  	[tilespmem:s10], [sflag:$0x6] =	stream.indirect.gather [hbm4b:s8+s7], $0x10, s23, s7, $0xb8;
	[tilespmem:$0x1B800] =	vst v63  }
0x10b: {  	_ =	swait.ge [sflag:s9], $0x4000  }
0x10c: {  	[sflag:s9] =	ssyncset.done $0x0  }
0x10d: {  	[sflag:s9] =	ssyncadd.s32 $0xFFFFC000  }
0x10e: {  	[spmem:s2] =	stream.indirect.scatter.add.f32 [tilespmem:s15], [sflag:$0x7], $0x10, s31, s7, $0xb8;
	[tilespmem:$0x1B800] =	vst v63  }
0x10f: {  	_ =	swait.ge [sflag:s4], $0x4000  }
0x110: {  	[sflag:s4] =	ssyncset.done $0x0  }
0x111: {  	s1 =	rddreg [dreg:$0xa];
	[sflag:s4] =	ssyncadd.s32 $0xFFFFC000  }
0x112: {  	[tilespmem:s15], [sflag:$0x2] =	stream.indirect.gather [hbm4b:s8+s7], $0x10, s1, s7, $0xb8;
	[tilespmem:$0x1B800] =	vst v63  }
0x113: {  	_ =	swait.ge [sflag:s20], $0x4000  }
0x114: {  	[sflag:s20] =	ssyncset.done $0x0  }
0x115: {  	s23 =	rddreg [dreg:$0xb];
	[sflag:s20] =	ssyncadd.s32 $0xFFFFC000  }
0x116: {  	[spmem:s2] =	stream.indirect.scatter.add.f32 [tilespmem:s13], [sflag:$0x7], $0x10, s23, s7, $0xb8;
	[tilespmem:$0x1B800] =	vst v63  }
0x117: {  	_ =	swait.ge [sflag:s4], $0x4000  }
0x118: {  	[sflag:s4] =	ssyncset.done $0x0  }
0x119: {  	s31 =	rddreg [dreg:$0xc];
	[sflag:s4] =	ssyncadd.s32 $0xFFFFC000  }
0x11a: {  	[tilespmem:s13], [sflag:$0x3] =	stream.indirect.gather [hbm4b:s8+s7], $0x10, s31, s7, $0xb8;
	[tilespmem:$0x1B800] =	vst v63  }
0x11b: {  	_ =	swait.ge [sflag:s18], $0x4000  }
0x11c: {  	[sflag:s18] =	ssyncset.done $0x0  }
0x11d: {  	s1 =	rddreg [dreg:$0xd];
	[sflag:s18] =	ssyncadd.s32 $0xFFFFC000  }
0x11e: {  	[spmem:s2] =	stream.indirect.scatter.add.f32 [tilespmem:s12], [sflag:$0x7], $0x10, s1, s7, $0xb8;
	[tilespmem:$0x1B800] =	vst v63  }
0x11f: {  	_ =	swait.ge [sflag:s4], $0x4000  }
0x120: {  	[sflag:s4] =	ssyncset.done $0x0  }
0x121: {  	s23 =	rddreg [dreg:$0xe];
	[sflag:s4] =	ssyncadd.s32 $0xFFFFC000  }
0x122: {  	[tilespmem:s12], [sflag:$0x4] =	stream.indirect.gather [hbm4b:s8+s7], $0x10, s23, s7, $0xb8;
	[tilespmem:$0x1B800] =	vst v63  }
0x123: {  	_ =	swait.ge [sflag:s16], $0x4000  }
0x124: {  	[sflag:s16] =	ssyncset.done $0x0  }
0x125: {  	[sflag:s16] =	ssyncadd.s32 $0xFFFFC000  }
0x126: {  	[spmem:s2] =	stream.indirect.scatter.add.f32 [tilespmem:s11], [sflag:$0x7], $0x10, s19, s7, $0xb8;
	[tilespmem:$0x1B800] =	vst v63  }
0x127: {  	_ =	swait.ge [sflag:s4], $0x4000  }
0x128: {  	[sflag:s4] =	ssyncset.done $0x0  }
0x129: {  	[sflag:s4] =	ssyncadd.s32 $0xFFFFC000  }
0x12a: {  	[tilespmem:s11], [sflag:$0x5] =	stream.indirect.gather [hbm4b:s8+s7], $0x10, s30, s7, $0xb8;
	[tilespmem:$0x1B800] =	vst v63  }
0x12b: {  	_ =	swait.ge [sflag:s14], $0x4000  }
0x12c: {  	[sflag:s14] =	ssyncset.done $0x0  }
0x12d: {  	[sflag:s14] =	ssyncadd.s32 $0xFFFFC000  }
0x12e: {  	[spmem:s2] =	stream.indirect.scatter.add.f32 [tilespmem:s10], [sflag:$0x7], $0x10, s29, s7, $0xb8;
	[tilespmem:$0x1B800] =	vst v63  }
0x12f: {  	_ =	swait.ge [sflag:s4], $0x4000  }
0x130: {  	[sflag:s4] =	ssyncset.done $0x0  }
0x131: {  	[sflag:s4] =	ssyncadd.s32 $0xFFFFC000  }
0x132: {  	[tilespmem:s10], [sflag:$0x6] =	stream.indirect.gather [hbm4b:s8+s7], $0x10, s26, s7, $0xb8;
	[tilespmem:$0x1B800] =	vst v63  }
0x133: {  	_ =	swait.ge [sflag:s9], $0x4000  }
0x134: {  	[sflag:s9] =	ssyncset.done $0x0  }
0x135: {  	[sflag:s9] =	ssyncadd.s32 $0xFFFFC000  }
0x136: {  	[spmem:s2] =	stream.indirect.scatter.add.f32 [tilespmem:s15], [sflag:$0x7], $0x10, s28, s7, $0xb8;
	[tilespmem:$0x1B800] =	vst v63  }
0x137: {  	_ =	swait.ge [sflag:s4], $0x4000  }
0x138: {  	[sflag:s4] =	ssyncset.done $0x0  }
0x139: {  	[sflag:s4] =	ssyncadd.s32 $0xFFFFC000  }
0x13a: {  	_ =	swait.ge [sflag:s20], $0x4000  }
0x13b: {  	[sflag:s20] =	ssyncset.done $0x0  }
0x13c: {  	[sflag:s20] =	ssyncadd.s32 $0xFFFFC000  }
0x13d: {  	[spmem:s2] =	stream.indirect.scatter.add.f32 [tilespmem:s13], [sflag:$0x7], $0x10, s25, s7, $0xb8;
	[tilespmem:$0x1B800] =	vst v63  }
0x13e: {  	_ =	swait.ge [sflag:s4], $0x4000  }
0x13f: {  	[sflag:s4] =	ssyncset.done $0x0  }
0x140: {  	[sflag:s4] =	ssyncadd.s32 $0xFFFFC000  }
0x141: {  	_ =	swait.ge [sflag:s18], $0x4000  }
0x142: {  	[sflag:s18] =	ssyncset.done $0x0  }
0x143: {  	[sflag:s18] =	ssyncadd.s32 $0xFFFFC000  }
0x144: {  	[spmem:s2] =	stream.indirect.scatter.add.f32 [tilespmem:s12], [sflag:$0x7], $0x10, s24, s7, $0xb8;
	[tilespmem:$0x1B800] =	vst v63  }
0x145: {  	_ =	swait.ge [sflag:s4], $0x4000  }
0x146: {  	[sflag:s4] =	ssyncset.done $0x0  }
0x147: {  	[sflag:s4] =	ssyncadd.s32 $0xFFFFC000  }
0x148: {  	_ =	swait.ge [sflag:s16], $0x4000  }
0x149: {  	[sflag:s16] =	ssyncset.done $0x0  }
0x14a: {  	[sflag:s16] =	ssyncadd.s32 $0xFFFFC000  }
0x14b: {  	[spmem:s2] =	stream.indirect.scatter.add.f32 [tilespmem:s11], [sflag:$0x7], $0x10, s22, s7, $0xb8;
	[tilespmem:$0x1B800] =	vst v63  }
0x14c: {  	_ =	swait.ge [sflag:s4], $0x4000  }
0x14d: {  	[sflag:s4] =	ssyncset.done $0x0  }
0x14e: {  	[sflag:s4] =	ssyncadd.s32 $0xFFFFC000  }
0x14f: {  	_ =	swait.ge [sflag:s14], $0x4000  }
0x150: {  	[sflag:s14] =	ssyncset.done $0x0  }
0x151: {  	[sflag:s14] =	ssyncadd.s32 $0xFFFFC000  }
0x152: {  	[spmem:s2] =	stream.indirect.scatter.add.f32 [tilespmem:s10], [sflag:$0x7], $0x10, s21, s7, $0xb8;
	[tilespmem:$0x1B800] =	vst v63  }
0x153: {  	_ =	swait.ge [sflag:s4], $0x4000  }
0x154: {  	[sflag:s4] =	ssyncset.done $0x0  }
0x155: {  	[sflag:s4] =	ssyncadd.s32 $0xFFFFC000  }
0x156: {  	[bflag:$0x0] =	sbarrier.arrive $0xFFFF  }
0x157: {  	s31 =	simm.s32 $0x10;
	s30 =	rddreg [dreg:$0x6]  }
0x158: {  	[hbm:s30@s31], [sflag:s3] =	dma.strided [spmem:s5@s9], $0x500, s6, $0x2   }
0x159: {  	_ =	swait.ge [sflag:s4], $0x500  }
0x15a: {  	[sflag:s4] =	ssyncset.done $0x0  }
0x15b: {  	[sflag:s4] =	ssyncadd.s32 $0xFFFFFB00  }
0x15c: {  	_ =	sfence.sel $0x180000  }
0x15d: {  	[bflag:$0x0] =	sbarrier.arrive $0xFFFF  }
0x15e: {  	_ =	strace $0x9000004A  }
0x15f: {  	[bflag:$0x2] =	sbarrier.arrive $0xFFFF  }
0x160: {  	p0 =	sne.s32 s17, $0x0;
	s0 =	rddreg [dreg:$0x2]  }
0x161: {  	s0 =	sadd.s32 @!p0 $0x100000, s0  }
0x162: {  	[sflag:s0] =	ssyncadd.tile.s32 @!p0 $0x1;
	_ =	shalt  }
.LBB2_1:
.Ltmp3:
0x163: {  	(pc) =	sbr.rel .LBB2_6-.Ltmp3, $4  }
0x164: {  	_ = 	snop  }
0x165: {  	s19 =	simm.s32 $0x3400;
	s30 =	simm.s32 $0x2000;
	s29 =	simm.s32 $0x3800  }
0x166: {  	s28 =	simm.s32 $0x3C00;
	s26 =	simm.s32 $0x2400;
	s25 =	simm.s32 $0x4000  }
0x167: {  	s24 =	simm.s32 $0x4400;
	s22 =	simm.s32 $0x4800;
	s21 =	simm.s32 $0x4C00  }
.LBB2_3:
.Ltmp4:
0x168: {  	(pc) =	sbr.rel .LBB2_6-.Ltmp4, $4  }
0x169: {  	s19 =	simm.s32 $0x3400  }
0x16a: {  	s30 =	simm.s32 $0x2000;
	s29 =	simm.s32 $0x3800;
	s28 =	simm.s32 $0x3C00  }
0x16b: {  	s26 =	simm.s32 $0x2400;
	s25 =	simm.s32 $0x4000;
	s24 =	simm.s32 $0x4400  }
0x16c: {  	s22 =	simm.s32 $0x4800;
	s21 =	simm.s32 $0x4C00;
	s17 =	stileid.u32  }
.Lfunc_end2:
_tile_overlayer_lowered:
.L_overlay_start_2:
0x16d: {  	(tag) =	ssettag $0x2  }
0x16e: {  	s0 =	rddreg [dreg:$0x0];
	s2 =	stileid.u32  }
0x16f: {  	s1 =	rddreg [dreg:$0x1];
	p0 =	sne.s32 s2, $0x0  }
0x170: {  	s3 =	rddreg [dreg:$0x2];
	[bflag:$0x3] =	sbarrier.arrive $0xFFFF;
	s2 =	simm.s32 @!p0 $0x1C07  }
0x171: {  	[timem:s3], [sflag:s2] =	dma.local @!p0 [hbm:s0], s1  }
0x172: {  	s0 =	simm.s32 @!p0 $0x7  }
0x173: {  	_ =	swait.ge @!p0 [sflag:s0], s1  }
0x174: {  	s1 =	ssub.s32 @!p0 $0x0, s1;
	[sflag:s0] =	ssyncset.done @!p0 $0x0  }
0x175: {  	[sflag:s0] =	ssyncadd.s32 @!p0 s1  }
0x176: {  	[bflag:$0x3] =	sbarrier.arrive $0xFFFF  }
0x177: {  	_ =	shalt  }

// kernel: kernel.15.cloned.1.call-start
scs
__scs_entry_jumppad:
0x0: {  	(pc) =	sbr.rel $0x88, $3  }
0x1: {  	(tag) =	ssettag $0x0;
	lr =	simm.s32 $0x1  }
0x2: {  	[smem:$0x3F9B] =	sst lr;
	_ =	strace $0xD0000000  }
0x3: {  	_ = 	snop  }
0x4: {  	_ = 	snop  }
0x5: {  	_ = 	snop  }
0x6: {  	_ = 	snop  }
0x7: {  	_ = 	snop  }
__scs_overlays_trampoline_lowered:
0x8: {  	[smem:$0x3FAA] =	sst s0  }
0x9: {  	[smem:$0x3FAB] =	sst s1  }
0xa: {  	[smem:$0x3FAC] =	sst s2  }
0xb: {  	[smem:$0x3FAD] =	sst s3  }
0xc: {  	[smem:$0x3FAE] =	sst s4  }
0xd: {  	[smem:$0x3FAF] =	sst s5  }
0xe: {  	[smem:$0x3FB0] =	sst s6  }
0xf: {  	[smem:$0x3FB1] =	sst s7  }
0x10: {  	[smem:$0x3FB2] =	sst s8  }
0x11: {  	[smem:$0x3FB3] =	sst s9;
	s0 =	simm.s32 @!p0 $0x0  }
0x12: {  	s1 =	sld [smem:$0x3F99];
	s0 =	simm.s32 @p0 $0x1  }
0x13: {  	[smem:$0x3FB4] =	sst s0;
	s0 =	simm.s32 @!p1 $0x0  }
0x14: {  	s2 =	sld [smem:$0x3F98];
	s0 =	simm.s32 @p1 $0x1  }
0x15: {  	[smem:$0x3FB5] =	sst s0;
	s0 =	simm.s32 @!p2 $0x0  }
0x16: {  	s3 =	sld [smem:$0x3FDB];
	s0 =	simm.s32 @p2 $0x1  }
0x17: {  	s4 =	simm.s32 $0x1BF5;
	[smem:$0x3FB7] =	sst s0  }
0x18: {  	s0 =	sld [smem:$0x3F9A];
	_ =	swait.ge [sflag:s4], $0x0  }
0x19: {  	s7 =	sld [smem:$0x3F9B]  }
0x1a: {  	s8 =	sadd.s32 $0xFFFFE003, lr  }
0x1b: {  	s9 =	sadd.s32 $0xFFFFFEF7, lr;
	s5 =	simm.s32 $0xFFFFFFFF;
	p2 =	slt.u32 s8, $0xFFFFF086  }
0x1c: {  	p1 =	slt.u32 s9, $0xF7A;
	s5 =	simm.s32 @!p2 $0x0  }
0x1d: {  	s5 =	simm.s32 @p1 $0x1;
	p0 =	seq.s32 s7, s2  }
0x1e: {  	s7 =	smul.u32 @!p0 $0xF7A, s2;
	p2 =	seq.s32 @!p0 s5, $0x0  }
0x1f: {  	s9 =	smul.u32 $0xF7A, s1;
	s8 =	simm.s32 @!p0 $0x1BF5;
	p2 =	por !p2, p0  }
0x20: {  	[sflag:s8] =	ssyncset.s32 @!p0 $0xFFFFF086;
	s6 =	sadd.s32 @!p0 s3, s7;
	s7 =	simm.s32 @!p0 $0x108  }
0x21: {  	s3 =	sadd.s32 s3, s9;
	s6 =	sadd.s32 @!p0 $0x88, s6;
	s7 =	simm.s32 @p2 $0x1082  }
0x22: {  	[simem:s7], [sflag:s8] =	dma.local @!p0 [hbm:s6], $0xF7A  }
0x23: {  	s9 =	sor.u32 $0xD0000000, s2;
	s6 =	simm.s32 $0x108;
	_ =	swait.ge @!p0 [sflag:s8], $0x0  }
0x24: {  	s3 =	sadd.s32 $0x88, s3;
	s6 =	simm.s32 @!p1 $0x1082;
	[sflag:s4] =	ssyncset.s32 $0xFFFFF086  }
0x25: {  	[simem:s6], [sflag:s4] =	dma.local [hbm:s3], $0xF7A  }
0x26: {  	[smem:$0x3F9B] =	sst s1;
	(tag) =	ssettag s2;
	_ =	strace s9  }
0x27: {  	s1 =	sld [smem:$0x3FAB]  }
0x28: {  	s2 =	sld [smem:$0x3FAC]  }
0x29: {  	s4 =	sld [smem:$0x3FAE]  }
0x2a: {  	p0 =	seq.s32 s5, $0x0;
	s5 =	sld [smem:$0x3FAF]  }
0x2b: {  	s6 =	sld [smem:$0x3FB0]  }
0x2c: {  	s7 =	sld [smem:$0x3FB1]  }
0x2d: {  	s3 =	simm.s32 $0x108;
	s8 =	sld [smem:$0x3FB2]  }
0x2e: {  	s3 =	simm.s32 @!p0 $0x1082;
	s9 =	sld [smem:$0x3FB3]  }
0x2f: {  	lr =	sadd.s32 s0, s3;
	s0 =	sld [smem:$0x3FAA]  }
0x30: {  	s3 =	sld [smem:$0x3FAD]  }
0x31: {  	[smem:$0x3FB6] =	sst s10  }
0x32: {  	s10 =	sld [smem:$0x3FB4];
	_ =	sdelay $0x3  }
0x33: {  	p0 =	seq.s32 s10, $0x1;
	s10 =	sld [smem:$0x3FB6];
	_ =	sdelay $0x3  }
0x34: {  	[smem:$0x3FB6] =	sst s10  }
0x35: {  	s10 =	sld [smem:$0x3FB5];
	_ =	sdelay $0x3  }
0x36: {  	p1 =	seq.s32 s10, $0x1;
	s10 =	sld [smem:$0x3FB6];
	_ =	sdelay $0x3  }
0x37: {  	[smem:$0x3FB6] =	sst s10  }
0x38: {  	s10 =	sld [smem:$0x3FB7]  }
0x39: {  	_ = 	snop;
	(pc) =	sbr.ind lr, $3  }
0x3a: {  	_ = 	snop  }
0x3b: {  	_ = 	snop  }
0x3c: {  	p2 =	seq.s32 s10, $0x1;
	s10 =	sld [smem:$0x3FB6]  }
0x3d: {  	_ =	shalt  }
0x3e: {  	_ =	shalt  }
0x3f: {  	_ =	shalt  }
0x40: {  	_ =	shalt  }
0x41: {  	_ =	shalt  }
0x42: {  	_ =	shalt  }
0x43: {  	_ =	shalt  }
0x44: {  	_ =	shalt  }
0x45: {  	_ =	shalt  }
0x46: {  	_ =	shalt  }
0x47: {  	_ =	shalt  }
0x48: {  	_ =	shalt  }
0x49: {  	_ =	shalt  }
0x4a: {  	_ =	shalt  }
0x4b: {  	_ =	shalt  }
0x4c: {  	_ =	shalt  }
0x4d: {  	_ =	shalt  }
0x4e: {  	_ =	shalt  }
0x4f: {  	_ =	shalt  }
0x50: {  	_ =	shalt  }
0x51: {  	_ =	shalt  }
0x52: {  	_ =	shalt  }
0x53: {  	_ =	shalt  }
0x54: {  	_ =	shalt  }
0x55: {  	_ =	shalt  }
0x56: {  	_ =	shalt  }
0x57: {  	_ =	shalt  }
0x58: {  	_ =	shalt  }
0x59: {  	_ =	shalt  }
0x5a: {  	_ =	shalt  }
0x5b: {  	_ =	shalt  }
0x5c: {  	_ =	shalt  }
0x5d: {  	_ =	shalt  }
0x5e: {  	_ =	shalt  }
0x5f: {  	_ =	shalt  }
0x60: {  	_ =	shalt  }
0x61: {  	_ =	shalt  }
0x62: {  	_ =	shalt  }
0x63: {  	_ =	shalt  }
0x64: {  	_ =	shalt  }
0x65: {  	_ =	shalt  }
0x66: {  	_ =	shalt  }
0x67: {  	_ =	shalt  }
0x68: {  	_ =	shalt  }
0x69: {  	_ =	shalt  }
0x6a: {  	_ =	shalt  }
0x6b: {  	_ =	shalt  }
0x6c: {  	_ =	shalt  }
0x6d: {  	_ =	shalt  }
0x6e: {  	_ =	shalt  }
0x6f: {  	_ =	shalt  }
0x70: {  	_ =	shalt  }
0x71: {  	_ =	shalt  }
0x72: {  	_ =	shalt  }
0x73: {  	_ =	shalt  }
0x74: {  	_ =	shalt  }
0x75: {  	_ =	shalt  }
0x76: {  	_ =	shalt  }
0x77: {  	_ =	shalt  }
0x78: {  	_ =	shalt  }
0x79: {  	_ =	shalt  }
0x7a: {  	_ =	shalt  }
0x7b: {  	_ =	shalt  }
0x7c: {  	_ =	shalt  }
0x7d: {  	_ =	shalt  }
0x7e: {  	_ =	shalt  }
0x7f: {  	_ =	shalt  }
0x80: {  	_ =	shalt  }
0x81: {  	_ =	shalt  }
0x82: {  	_ =	shalt  }
0x83: {  	_ =	shalt  }
0x84: {  	_ =	shalt  }
0x85: {  	_ =	shalt  }
0x86: {  	_ =	shalt  }
0x87: {  	_ =	shalt  }
.Lfunc_end0:
.L_simem_size_0:
called_computation.2_lowered:
.L_overlay_start_0:
0x88: {  	s2 =	sld [smem:$0x3FD9]  }
0x89: {  	s3 =	sld [smem:$0x3FFE];
	_ =	sdelay $0x1  }
0x8a: {  	s1 =	srdreg.scid  }
0x8b: {  	s0 =	sand.u32 $0x1, s1  }
0x8c: {  	s16 =	sshll.u32 s0, $0xA;
	s2 =	sadd.s32 s3, s2  }
0x8d: {  	s2 =	sadd.s32 s2, s16  }
0x8e: {  	[smem:$0x3FC2] =	sst s2  }
0x8f: {  	_ = 	snop  }
0x90: {  	(tm) =	ssettm $0x1  }
0x91: {  	s17 =	sld [smem:$0x3FFB];
	_ =	sdelay $0x3  }
0x92: {  	_ =	strace s17  }
0x93: {  	s2 =	sld [smem:$0x3FFC];
	_ =	sdelay $0x3  }
0x94: {  	_ =	strace s2  }
0x95: {  	s2 =	sld [smem:$0x3FFD];
	_ =	sdelay $0x3  }
0x96: {  	_ =	strace s2  }
0x97: {  	_ =	strace $0x8FFFFFFF  }
0x98: {  	s18 =	sld [smem:$0x3FDB];
	_ =	sdelay $0x1  }
0x99: {  	s19 =	simm.s32 $_scs_section_size  }
0x9a: {  	s4 =	simm.s32 $_size__tile_overlayer_lowered;
	s5 =	simm.s32 $_tile_overlayer_lowered  }
0x9b: {  	s22 =	simm.s32 $0x1BFF;
	s21 =	sshll.u32 s5, $0x1;
	s2 =	sadd.s32 s19, s18  }
0x9c: {  	s6 =	simm.s32 $0x0;
	s20 =	sshll.u32 s4, $0x1;
	s4 =	sadd.s32 s21, s2  }
0x9d: {  	[timem:s6], [sflag:s22] =	dma.local [hbm:s4], s20  }
0x9e: {  	_ =	swait.ge [sflag:s22], s20  }
0x9f: {  	s3 =	ssub.s32 $0x0, s20;
	[sflag:s22] =	ssyncset.done $0x0  }
0xa0: {  	[sflag:s22] =	ssyncadd.s32 s3;
	_ =	sdelay $0x1  }
0xa1: {  	s23 =	simm.s32 $0x1B8B  }
0xa2: {  	_ =	swait.ge [sflag:s23], $0x1  }
0xa3: {  	[sflag:s23] =	ssyncset.done $0x0  }
0xa4: {  	s25 =	simm.s32 $0x1B8E;
	s24 =	sld [smem:$0x3FFE];
	[sflag:s23] =	ssyncadd.s32 $0xFFFFFFFF  }
0xa5: {  	s26 =	simm.s32 $execute0_lowered;
	[smem:$0x3FD2] =	sst s25  }
0xa6: {  	s4 =	sshll.u32 s26, $0x1;
	_ =	strace $0x8000004C;
	[dreg:$0x1] =	wrdreg $0xFFFFFFFF  }
0xa7: {  	s28 =	simm.s32 $_size_execute0_lowered;
	s2 =	sadd.s32 s2, s4;
	[dreg:$0x0] =	wrdreg $0x0  }
0xa8: {  	s4 =	sshll.u32 s28, $0x1;
	[dreg:$0x2] =	wrdreg s2  }
0xa9: {  	[dreg:$0x3] =	wrdreg s4  }
0xaa: {  	[dreg:$0x4] =	wrdreg $0xC0  }
0xab: {  	_ =	task [dreg:s6], $0x5FFFF  }
0xac: {  	[dreg:$0x1] =	wrdreg $0xFFFFFFFF  }
0xad: {  	[dreg:$0x0] =	wrdreg $0x60  }
0xae: {  	[dreg:$0x2] =	wrdreg s24  }
0xaf: {  	[dreg:$0x3] =	wrdreg $0x190000  }
0xb0: {  	[dreg:$0x4] =	wrdreg $0x9  }
0xb1: {  	_ =	task.clear_ibuf [dreg:s6], $0x5FFFF;
	_ =	strace $0x9000004C  }
0xb2: {  	s29 =	simm.s32 $0x9;
	_ =	strace $0x8000004E  }
0xb3: {  	_ =	swait.ge [sflag:s29], $0x1  }
0xb4: {  	[sflag:s29] =	ssyncadd.s32 $0xFFFFFFFF  }
0xb5: {  	_ =	strace $0x9000004E  }
0xb6: {  	_ =	sfence  }
0xb7: {  	s30 =	sld [smem:$0x0];
	_ =	sdelay $0x2  }
0xb8: {  	s31 =	sshll.u32 s1, $0xD;
	s1 =	sshrl.u32 s1, $0x2  }
0xb9: {  	s3 =	sand.u32 $0x4000, s31;
	s1 =	sadd.s32 s1, s30  }
0xba: {  	s0 =	sor.u32 s3, s0;
	s1 =	sshll.u32 s1, $0x11  }
0xbb: {  	s0 =	sor.u32 s1, s0  }
0xbc: {  	s0 =	sadd.s32 $0x8F2B, s0  }
0xbd: {  	[sflag:s0] =	ssyncadd.remote.s32 $0x1  }
0xbe: {  	_ =	sfence.sel $0xFFFF  }
0xbf: {  	[dreg:$0x0] =	wrdreg $0xFFFFFFFF;
	(pc) =	sbr.abs _section_cstart, $3  }
0xc0: {  	[dreg:$0x1] =	wrdreg $0xFFFFFFFF  }
0xc1: {  	_ =	task.clear_ibuf [dreg:s6], $0x2FFFF;
	_ =	strace $0x9FFFFFFF  }
0xc2: {  	(tm) =	ssettm $0x7FFFFFFF  }
0xc3: {  	_ =	shalt  }
tec
execute0_lowered:
.L_overlay_start_1:
0x0: {  	(tag) =	ssettag $0x1  }
0x1: {  	s0 =	srdreg.scid;
	s3 =	rddreg [dreg:$0x0]  }
0x2: {  	s17 =	stileid.u32;
	s2 =	rddreg [dreg:$0x1]  }
0x3: {  	s23 =	simm.s32 $0x0;
	s31 =	simm.s32 $0x2800;
	s18 =	simm.s32 $0x800  }
0x4: {  	s19 =	simm.s32 $0xC00;
	s20 =	simm.s32 $0x1000;
	s21 =	simm.s32 $0x1400  }
0x5: {  	s11 =	simm.s32 $0x11000;
	s22 =	simm.s32 $0x2C00;
	s10 =	simm.s32 $0x15000  }
0x6: {  	s24 =	simm.s32 $0x1800;
	s9 =	simm.s32 $0x2;
	s25 =	simm.s32 $0x3000  }
0x7: {  	s26 =	simm.s32 $0x1C00;
	s30 =	simm.s32 $0x2000;
	[smem:$0x7FF] =	sst s23  }
0x8: {  	s29 =	simm.s32 $0x3800;
	_ =	strace $0x8000004D;
	[dreg:$0x7] =	wrdreg s18  }
0x9: {  	p0 =	por $0x0, $0x0;
	s28 =	simm.s32 $0x3C00;
	[dreg:$0x8] =	wrdreg s19  }
0xa: {  	s0 =	sand.u32 $0x1, s0;
	s4 =	smul.u32 $0x2800, s17;
	[dreg:$0x9] =	wrdreg s20  }
0xb: {  	s1 =	sshll.u32 s17, $0x1;
	s6 =	smul.u32 $0x14000, s17;
	[dreg:$0xa] =	wrdreg s21  }
0xc: {  	s8 =	sadd.s32 $0x16E00, s3;
	s15 =	sshll.u32 s17, $0x6;
	[dreg:$0xb] =	wrdreg s22  }
0xd: {  	s1 =	sor.u32 s0, s1;
	s5 =	smul.u32 $0x140000, s0;
	[dreg:$0xc] =	wrdreg s24  }
0xe: {  	s0 =	ssub.s32 $0x2, s0;
	s20 =	simm.s32 $0x3;
	[dreg:$0xd] =	wrdreg s25  }
0xf: {  	s18 =	simm.s32 $0x4;
	[dreg:$0xe] =	wrdreg s26;
	s26 =	simm.s32 $0x2400  }
0x10: {  	s25 =	simm.s32 $0x4000;
	s24 =	simm.s32 $0x4400;
	s22 =	simm.s32 $0x4800  }
0x11: {  	s21 =	simm.s32 $0x4C00;
	s19 =	simm.s32 $0x10;
	s1 =	smul.u32 $0x2800, s1  }
0x12: {  	s7 =	sshrl.u32 s4, $0x3;
	s13 =	sshrl.u32 s0, $0x1;
	s4 =	sadd.s32 s4, s2  }
0x13: {  	s5 =	sadd.s32 s6, s5;
	s12 =	sadd.s32 s7, s3;
	s0 =	ssub.s32 s0, s13  }
0x14: {  	s7 =	simm.s32 $0x400;
	s13 =	simm.s32 $0x9000;
	s1 =	sshrl.u32 s1, $0x3  }
0x15: {  	s5 =	sshrl.u32 s5, $0x3;
	s6 =	sadd.s32 $0x3E000, s12;
	s0 =	smax.u32 s0, $0x1  }
0x16: {  	s12 =	simm.s32 $0xD000;
	s1 =	sadd.s32 s1, s3;
	s3 =	sadd.s32 s5, s3  }
0x17: {  	[dreg:$0x3] =	wrdreg s6;
	s5 =	sshrl.u32 s4, $0x3;
	p1 =	sne.s32 s0, $0x1  }
.Ltmp0:
0x18: {  	s4 =	simm.s32 $0x7;
	s14 =	sadd.s32 $0x2E00, s1;
	(pc) =	sbr.rel @!p1 .LBB2_1-.Ltmp0, $4  }
0x19: {  	s6 =	simm.s32 $0x1;
	s1 =	sadd.s32 $0xCE00, s1;
	[dreg:$0x4] =	wrdreg s14  }
0x1a: {  	s16 =	sadd.s32 $0x43000, s3;
	s3 =	sor.u32 $0x1C07, s15;
	[dreg:$0x5] =	wrdreg s1  }
0x1b: {  	s15 =	simm.s32 $0x5000;
	[dreg:$0x6] =	wrdreg s16;
	s16 =	simm.s32 $0x5  }
0x1c: {  	s14 =	simm.s32 $0x6;
	s1 =	sadd.s32 $0xFFFFFFFF, s0;
	s0 =	rddreg [dreg:$0x3]  }
0x1d: {  	[spmem:s5], [sflag:s3] =	dma.local [hbm:s0], $0x500  }
0x1e: {  	_ =	swait.ge [sflag:s4], $0x500  }
0x1f: {  	[sflag:s4] =	ssyncset.done $0x0  }
0x20: {  	[sflag:s4] =	ssyncadd.s32 $0xFFFFFB00  }
0x21: {  	[bflag:$0x0] =	sbarrier.arrive $0xFFFF  }
0x22: {  	s0 =	rddreg [dreg:$0x4]  }
0x23: {  	[tilespmem:s23], [sflag:$0x1] =	stream.linear.gather [hbm4b:s0+s23], $0x2800, $0x38;
	[tilespmem:$0x1B800] =	vst v63  }
0x24: {  	s17 =	smov.u32 s1;
	s1 =	rddreg [dreg:$0x5]  }
0x25: {  	[tilespmem:s31], [sflag:$0x1] =	stream.linear.gather [hbm4b:s1+s23], $0x2800, $0x38;
	[tilespmem:$0x1B800] =	vst v63  }
0x26: {  	_ =	swait.ge [sflag:s6], $0x2800  }
0x27: {  	[sflag:s6] =	ssyncset.done $0x0  }
0x28: {  	[sflag:s6] =	ssyncadd.s32 $0xFFFFD800  }
0x29: {  	_ =	swait.ge [sflag:s6], $0x2800  }
0x2a: {  	[sflag:s6] =	ssyncset.done $0x0  }
0x2b: {  	[sflag:s6] =	ssyncadd.s32 $0xFFFFD800  }
0x2c: {  	[tilespmem:s15], [sflag:$0x2] =	stream.indirect.gather [hbm4b:s8+s7], $0x10, s23, s7, $0xb8;
	[tilespmem:$0x1B800] =	vst v63  }
0x2d: {  	_ = 	snop  }
0x2e: {  	[tilespmem:s13], [sflag:$0x3] =	stream.indirect.gather [hbm4b:s8+s7], $0x10, s7, s7, $0xb8;
	[tilespmem:$0x1B800] =	vst v63  }
0x2f: {  	s0 =	rddreg [dreg:$0x7]  }
0x30: {  	[tilespmem:s12], [sflag:$0x4] =	stream.indirect.gather [hbm4b:s8+s7], $0x10, s0, s7, $0xb8;
	[tilespmem:$0x1B800] =	vst v63  }
0x31: {  	s1 =	rddreg [dreg:$0x8]  }
0x32: {  	[tilespmem:s11], [sflag:$0x5] =	stream.indirect.gather [hbm4b:s8+s7], $0x10, s1, s7, $0xb8;
	[tilespmem:$0x1B800] =	vst v63  }
0x33: {  	s0 =	rddreg [dreg:$0x9]  }
0x34: {  	[tilespmem:s10], [sflag:$0x6] =	stream.indirect.gather [hbm4b:s8+s7], $0x10, s0, s7, $0xb8;
	[tilespmem:$0x1B800] =	vst v63  }
0x35: {  	_ =	swait.ge [sflag:s9], $0x4000  }
0x36: {  	[sflag:s9] =	ssyncset.done $0x0  }
0x37: {  	[sflag:s9] =	ssyncadd.s32 $0xFFFFC000  }
0x38: {  	[spmem:s2] =	stream.indirect.scatter.add.f32 [tilespmem:s15], [sflag:$0x7], $0x10, s31, s7, $0xb8;
	[tilespmem:$0x1B800] =	vst v63  }
0x39: {  	_ =	swait.ge [sflag:s4], $0x4000  }
0x3a: {  	[sflag:s4] =	ssyncset.done $0x0  }
0x3b: {  	s1 =	rddreg [dreg:$0xa];
	[sflag:s4] =	ssyncadd.s32 $0xFFFFC000  }
0x3c: {  	[tilespmem:s15], [sflag:$0x2] =	stream.indirect.gather [hbm4b:s8+s7], $0x10, s1, s7, $0xb8;
	[tilespmem:$0x1B800] =	vst v63  }
0x3d: {  	_ =	swait.ge [sflag:s20], $0x4000  }
0x3e: {  	[sflag:s20] =	ssyncset.done $0x0  }
0x3f: {  	s1 =	rddreg [dreg:$0xb];
	[sflag:s20] =	ssyncadd.s32 $0xFFFFC000  }
0x40: {  	[spmem:s2] =	stream.indirect.scatter.add.f32 [tilespmem:s13], [sflag:$0x7], $0x10, s1, s7, $0xb8;
	[tilespmem:$0x1B800] =	vst v63  }
0x41: {  	_ =	swait.ge [sflag:s4], $0x4000  }
0x42: {  	[sflag:s4] =	ssyncset.done $0x0  }
0x43: {  	s1 =	rddreg [dreg:$0xc];
	[sflag:s4] =	ssyncadd.s32 $0xFFFFC000  }
0x44: {  	[tilespmem:s13], [sflag:$0x3] =	stream.indirect.gather [hbm4b:s8+s7], $0x10, s1, s7, $0xb8;
	[tilespmem:$0x1B800] =	vst v63  }
0x45: {  	_ =	swait.ge [sflag:s18], $0x4000  }
0x46: {  	[sflag:s18] =	ssyncset.done $0x0  }
0x47: {  	s1 =	rddreg [dreg:$0xd];
	[sflag:s18] =	ssyncadd.s32 $0xFFFFC000  }
0x48: {  	[spmem:s2] =	stream.indirect.scatter.add.f32 [tilespmem:s12], [sflag:$0x7], $0x10, s1, s7, $0xb8;
	[tilespmem:$0x1B800] =	vst v63  }
0x49: {  	_ =	swait.ge [sflag:s4], $0x4000  }
0x4a: {  	[sflag:s4] =	ssyncset.done $0x0  }
0x4b: {  	s1 =	rddreg [dreg:$0xe];
	[sflag:s4] =	ssyncadd.s32 $0xFFFFC000  }
0x4c: {  	[tilespmem:s12], [sflag:$0x4] =	stream.indirect.gather [hbm4b:s8+s7], $0x10, s1, s7, $0xb8;
	[tilespmem:$0x1B800] =	vst v63  }
0x4d: {  	_ =	swait.ge [sflag:s16], $0x4000  }
0x4e: {  	[sflag:s16] =	ssyncset.done $0x0  }
0x4f: {  	s1 =	simm.s32 $0x3400;
	[sflag:s16] =	ssyncadd.s32 $0xFFFFC000  }
0x50: {  	[spmem:s2] =	stream.indirect.scatter.add.f32 [tilespmem:s11], [sflag:$0x7], $0x10, s1, s7, $0xb8;
	[tilespmem:$0x1B800] =	vst v63  }
0x51: {  	_ =	swait.ge [sflag:s4], $0x4000  }
0x52: {  	[sflag:s4] =	ssyncset.done $0x0  }
0x53: {  	[sflag:s4] =	ssyncadd.s32 $0xFFFFC000  }
0x54: {  	[tilespmem:s11], [sflag:$0x5] =	stream.indirect.gather [hbm4b:s8+s7], $0x10, s30, s7, $0xb8;
	[tilespmem:$0x1B800] =	vst v63  }
0x55: {  	_ =	swait.ge [sflag:s14], $0x4000  }
0x56: {  	[sflag:s14] =	ssyncset.done $0x0  }
0x57: {  	[sflag:s14] =	ssyncadd.s32 $0xFFFFC000  }
0x58: {  	[spmem:s2] =	stream.indirect.scatter.add.f32 [tilespmem:s10], [sflag:$0x7], $0x10, s29, s7, $0xb8;
	[tilespmem:$0x1B800] =	vst v63  }
0x59: {  	_ =	swait.ge [sflag:s4], $0x4000  }
0x5a: {  	[sflag:s4] =	ssyncset.done $0x0  }
0x5b: {  	[sflag:s4] =	ssyncadd.s32 $0xFFFFC000  }
0x5c: {  	[tilespmem:s10], [sflag:$0x6] =	stream.indirect.gather [hbm4b:s8+s7], $0x10, s26, s7, $0xb8;
	[tilespmem:$0x1B800] =	vst v63  }
0x5d: {  	_ =	swait.ge [sflag:s9], $0x4000  }
0x5e: {  	[sflag:s9] =	ssyncset.done $0x0  }
0x5f: {  	[sflag:s9] =	ssyncadd.s32 $0xFFFFC000  }
0x60: {  	[spmem:s2] =	stream.indirect.scatter.add.f32 [tilespmem:s15], [sflag:$0x7], $0x10, s28, s7, $0xb8;
	[tilespmem:$0x1B800] =	vst v63  }
0x61: {  	_ =	swait.ge [sflag:s4], $0x4000  }
0x62: {  	[sflag:s4] =	ssyncset.done $0x0  }
0x63: {  	[sflag:s4] =	ssyncadd.s32 $0xFFFFC000  }
0x64: {  	_ =	swait.ge [sflag:s20], $0x4000  }
0x65: {  	[sflag:s20] =	ssyncset.done $0x0  }
0x66: {  	[sflag:s20] =	ssyncadd.s32 $0xFFFFC000  }
0x67: {  	[spmem:s2] =	stream.indirect.scatter.add.f32 [tilespmem:s13], [sflag:$0x7], $0x10, s25, s7, $0xb8;
	[tilespmem:$0x1B800] =	vst v63  }
0x68: {  	_ =	swait.ge [sflag:s4], $0x4000  }
0x69: {  	[sflag:s4] =	ssyncset.done $0x0  }
0x6a: {  	[sflag:s4] =	ssyncadd.s32 $0xFFFFC000  }
0x6b: {  	_ =	swait.ge [sflag:s18], $0x4000  }
0x6c: {  	[sflag:s18] =	ssyncset.done $0x0  }
0x6d: {  	[sflag:s18] =	ssyncadd.s32 $0xFFFFC000  }
0x6e: {  	[spmem:s2] =	stream.indirect.scatter.add.f32 [tilespmem:s12], [sflag:$0x7], $0x10, s24, s7, $0xb8;
	[tilespmem:$0x1B800] =	vst v63  }
0x6f: {  	_ =	swait.ge [sflag:s4], $0x4000  }
0x70: {  	[sflag:s4] =	ssyncset.done $0x0  }
0x71: {  	[sflag:s4] =	ssyncadd.s32 $0xFFFFC000  }
0x72: {  	_ =	swait.ge [sflag:s16], $0x4000  }
0x73: {  	[sflag:s16] =	ssyncset.done $0x0  }
0x74: {  	[sflag:s16] =	ssyncadd.s32 $0xFFFFC000  }
0x75: {  	[spmem:s2] =	stream.indirect.scatter.add.f32 [tilespmem:s11], [sflag:$0x7], $0x10, s22, s7, $0xb8;
	[tilespmem:$0x1B800] =	vst v63  }
0x76: {  	_ =	swait.ge [sflag:s4], $0x4000  }
0x77: {  	[sflag:s4] =	ssyncset.done $0x0  }
0x78: {  	[sflag:s4] =	ssyncadd.s32 $0xFFFFC000  }
0x79: {  	_ =	swait.ge [sflag:s14], $0x4000  }
0x7a: {  	[sflag:s14] =	ssyncset.done $0x0  }
0x7b: {  	[sflag:s14] =	ssyncadd.s32 $0xFFFFC000  }
0x7c: {  	[spmem:s2] =	stream.indirect.scatter.add.f32 [tilespmem:s10], [sflag:$0x7], $0x10, s21, s7, $0xb8;
	[tilespmem:$0x1B800] =	vst v63  }
0x7d: {  	_ =	swait.ge [sflag:s4], $0x4000  }
0x7e: {  	[sflag:s4] =	ssyncset.done $0x0  }
0x7f: {  	p1 =	sne.s32 s17, $0x1;
	[sflag:s4] =	ssyncadd.s32 $0xFFFFC000  }
.Ltmp1:
0x80: {  	[bflag:$0x0] =	sbarrier.arrive $0xFFFF;
	(pc) =	sbr.rel @!p1 .LBB2_3-.Ltmp1, $4  }
0x81: {  	s1 =	rddreg [dreg:$0x6]  }
0x82: {  	[hbm:s1@s19], [sflag:s3] =	dma.strided [spmem:s5@s9], $0x500, s6, $0x2   }
0x83: {  	p0 =	por $0x1, $0x1;
	_ =	swait.ge [sflag:s4], $0x500  }
0x84: {  	s1 =	sadd.s32 $0xFFFFFFFF, s17;
	s0 =	rddreg [dreg:$0x3];
	[sflag:s4] =	ssyncset.done $0x0  }
.LBB2_4:
0x85: {  	[sflag:s4] =	ssyncadd.s32 $0xFFFFFB00  }
0x86: {  	[spmem:s5], [sflag:s3] =	dma.local [hbm:s0], $0x500  }
0x87: {  	_ =	swait.ge [sflag:s4], $0x500  }
0x88: {  	[sflag:s4] =	ssyncset.done $0x0  }
0x89: {  	[sflag:s4] =	ssyncadd.s32 $0xFFFFFB00  }
0x8a: {  	[bflag:$0x0] =	sbarrier.arrive $0xFFFF  }
0x8b: {  	s0 =	rddreg [dreg:$0x4]  }
0x8c: {  	[tilespmem:s23], [sflag:$0x1] =	stream.linear.gather [hbm4b:s0+s23], $0x2800, $0x38;
	[tilespmem:$0x1B800] =	vst v63  }
0x8d: {  	s17 =	rddreg [dreg:$0x5]  }
0x8e: {  	[tilespmem:s31], [sflag:$0x1] =	stream.linear.gather [hbm4b:s17+s23], $0x2800, $0x38;
	[tilespmem:$0x1B800] =	vst v63  }
0x8f: {  	_ =	swait.ge [sflag:s6], $0x2800  }
0x90: {  	[sflag:s6] =	ssyncset.done $0x0  }
0x91: {  	[sflag:s6] =	ssyncadd.s32 $0xFFFFD800  }
0x92: {  	_ =	swait.ge [sflag:s6], $0x2800  }
0x93: {  	[sflag:s6] =	ssyncset.done $0x0  }
0x94: {  	[sflag:s6] =	ssyncadd.s32 $0xFFFFD800  }
0x95: {  	[tilespmem:s15], [sflag:$0x2] =	stream.indirect.gather [hbm4b:s8+s7], $0x10, s23, s7, $0xb8;
	[tilespmem:$0x1B800] =	vst v63  }
0x96: {  	_ = 	snop  }
0x97: {  	[tilespmem:s13], [sflag:$0x3] =	stream.indirect.gather [hbm4b:s8+s7], $0x10, s7, s7, $0xb8;
	[tilespmem:$0x1B800] =	vst v63  }
0x98: {  	s0 =	rddreg [dreg:$0x7]  }
0x99: {  	[tilespmem:s12], [sflag:$0x4] =	stream.indirect.gather [hbm4b:s8+s7], $0x10, s0, s7, $0xb8;
	[tilespmem:$0x1B800] =	vst v63  }
0x9a: {  	s17 =	rddreg [dreg:$0x8]  }
0x9b: {  	[tilespmem:s11], [sflag:$0x5] =	stream.indirect.gather [hbm4b:s8+s7], $0x10, s17, s7, $0xb8;
	[tilespmem:$0x1B800] =	vst v63  }
0x9c: {  	s0 =	rddreg [dreg:$0x9]  }
0x9d: {  	[tilespmem:s10], [sflag:$0x6] =	stream.indirect.gather [hbm4b:s8+s7], $0x10, s0, s7, $0xb8;
	[tilespmem:$0x1B800] =	vst v63  }
0x9e: {  	_ =	swait.ge [sflag:s9], $0x4000  }
0x9f: {  	[sflag:s9] =	ssyncset.done $0x0  }
0xa0: {  	[sflag:s9] =	ssyncadd.s32 $0xFFFFC000  }
0xa1: {  	[spmem:s2] =	stream.indirect.scatter.add.f32 [tilespmem:s15], [sflag:$0x7], $0x10, s31, s7, $0xb8;
	[tilespmem:$0x1B800] =	vst v63  }
0xa2: {  	_ =	swait.ge [sflag:s4], $0x4000  }
0xa3: {  	[sflag:s4] =	ssyncset.done $0x0  }
0xa4: {  	s17 =	rddreg [dreg:$0xa];
	[sflag:s4] =	ssyncadd.s32 $0xFFFFC000  }
0xa5: {  	[tilespmem:s15], [sflag:$0x2] =	stream.indirect.gather [hbm4b:s8+s7], $0x10, s17, s7, $0xb8;
	[tilespmem:$0x1B800] =	vst v63  }
0xa6: {  	_ =	swait.ge [sflag:s20], $0x4000  }
0xa7: {  	[sflag:s20] =	ssyncset.done $0x0  }
0xa8: {  	s17 =	rddreg [dreg:$0xb];
	[sflag:s20] =	ssyncadd.s32 $0xFFFFC000  }
0xa9: {  	[spmem:s2] =	stream.indirect.scatter.add.f32 [tilespmem:s13], [sflag:$0x7], $0x10, s17, s7, $0xb8;
	[tilespmem:$0x1B800] =	vst v63  }
0xaa: {  	_ =	swait.ge [sflag:s4], $0x4000  }
0xab: {  	[sflag:s4] =	ssyncset.done $0x0  }
0xac: {  	s17 =	rddreg [dreg:$0xc];
	[sflag:s4] =	ssyncadd.s32 $0xFFFFC000  }
0xad: {  	[tilespmem:s13], [sflag:$0x3] =	stream.indirect.gather [hbm4b:s8+s7], $0x10, s17, s7, $0xb8;
	[tilespmem:$0x1B800] =	vst v63  }
0xae: {  	_ =	swait.ge [sflag:s18], $0x4000  }
0xaf: {  	[sflag:s18] =	ssyncset.done $0x0  }
0xb0: {  	s17 =	rddreg [dreg:$0xd];
	[sflag:s18] =	ssyncadd.s32 $0xFFFFC000  }
0xb1: {  	[spmem:s2] =	stream.indirect.scatter.add.f32 [tilespmem:s12], [sflag:$0x7], $0x10, s17, s7, $0xb8;
	[tilespmem:$0x1B800] =	vst v63  }
0xb2: {  	_ =	swait.ge [sflag:s4], $0x4000  }
0xb3: {  	[sflag:s4] =	ssyncset.done $0x0  }
0xb4: {  	s17 =	rddreg [dreg:$0xe];
	[sflag:s4] =	ssyncadd.s32 $0xFFFFC000  }
0xb5: {  	[tilespmem:s12], [sflag:$0x4] =	stream.indirect.gather [hbm4b:s8+s7], $0x10, s17, s7, $0xb8;
	[tilespmem:$0x1B800] =	vst v63  }
0xb6: {  	_ =	swait.ge [sflag:s16], $0x4000  }
0xb7: {  	[sflag:s16] =	ssyncset.done $0x0  }
0xb8: {  	s17 =	simm.s32 $0x3400;
	[sflag:s16] =	ssyncadd.s32 $0xFFFFC000  }
0xb9: {  	[spmem:s2] =	stream.indirect.scatter.add.f32 [tilespmem:s11], [sflag:$0x7], $0x10, s17, s7, $0xb8;
	[tilespmem:$0x1B800] =	vst v63  }
0xba: {  	_ =	swait.ge [sflag:s4], $0x4000  }
0xbb: {  	[sflag:s4] =	ssyncset.done $0x0  }
0xbc: {  	[sflag:s4] =	ssyncadd.s32 $0xFFFFC000  }
0xbd: {  	[tilespmem:s11], [sflag:$0x5] =	stream.indirect.gather [hbm4b:s8+s7], $0x10, s30, s7, $0xb8;
	[tilespmem:$0x1B800] =	vst v63  }
0xbe: {  	_ =	swait.ge [sflag:s14], $0x4000  }
0xbf: {  	[sflag:s14] =	ssyncset.done $0x0  }
0xc0: {  	[sflag:s14] =	ssyncadd.s32 $0xFFFFC000  }
0xc1: {  	[spmem:s2] =	stream.indirect.scatter.add.f32 [tilespmem:s10], [sflag:$0x7], $0x10, s29, s7, $0xb8;
	[tilespmem:$0x1B800] =	vst v63  }
0xc2: {  	_ =	swait.ge [sflag:s4], $0x4000  }
0xc3: {  	[sflag:s4] =	ssyncset.done $0x0  }
0xc4: {  	[sflag:s4] =	ssyncadd.s32 $0xFFFFC000  }
0xc5: {  	[tilespmem:s10], [sflag:$0x6] =	stream.indirect.gather [hbm4b:s8+s7], $0x10, s26, s7, $0xb8;
	[tilespmem:$0x1B800] =	vst v63  }
0xc6: {  	_ =	swait.ge [sflag:s9], $0x4000  }
0xc7: {  	[sflag:s9] =	ssyncset.done $0x0  }
0xc8: {  	[sflag:s9] =	ssyncadd.s32 $0xFFFFC000  }
0xc9: {  	[spmem:s2] =	stream.indirect.scatter.add.f32 [tilespmem:s15], [sflag:$0x7], $0x10, s28, s7, $0xb8;
	[tilespmem:$0x1B800] =	vst v63  }
0xca: {  	_ =	swait.ge [sflag:s4], $0x4000  }
0xcb: {  	[sflag:s4] =	ssyncset.done $0x0  }
0xcc: {  	[sflag:s4] =	ssyncadd.s32 $0xFFFFC000  }
0xcd: {  	_ =	swait.ge [sflag:s20], $0x4000  }
0xce: {  	[sflag:s20] =	ssyncset.done $0x0  }
0xcf: {  	[sflag:s20] =	ssyncadd.s32 $0xFFFFC000  }
0xd0: {  	[spmem:s2] =	stream.indirect.scatter.add.f32 [tilespmem:s13], [sflag:$0x7], $0x10, s25, s7, $0xb8;
	[tilespmem:$0x1B800] =	vst v63  }
0xd1: {  	_ =	swait.ge [sflag:s4], $0x4000  }
0xd2: {  	[sflag:s4] =	ssyncset.done $0x0  }
0xd3: {  	[sflag:s4] =	ssyncadd.s32 $0xFFFFC000  }
0xd4: {  	_ =	swait.ge [sflag:s18], $0x4000  }
0xd5: {  	[sflag:s18] =	ssyncset.done $0x0  }
0xd6: {  	[sflag:s18] =	ssyncadd.s32 $0xFFFFC000  }
0xd7: {  	[spmem:s2] =	stream.indirect.scatter.add.f32 [tilespmem:s12], [sflag:$0x7], $0x10, s24, s7, $0xb8;
	[tilespmem:$0x1B800] =	vst v63  }
0xd8: {  	_ =	swait.ge [sflag:s4], $0x4000  }
0xd9: {  	[sflag:s4] =	ssyncset.done $0x0  }
0xda: {  	[sflag:s4] =	ssyncadd.s32 $0xFFFFC000  }
0xdb: {  	_ =	swait.ge [sflag:s16], $0x4000  }
0xdc: {  	[sflag:s16] =	ssyncset.done $0x0  }
0xdd: {  	[sflag:s16] =	ssyncadd.s32 $0xFFFFC000  }
0xde: {  	[spmem:s2] =	stream.indirect.scatter.add.f32 [tilespmem:s11], [sflag:$0x7], $0x10, s22, s7, $0xb8;
	[tilespmem:$0x1B800] =	vst v63  }
0xdf: {  	_ =	swait.ge [sflag:s4], $0x4000  }
0xe0: {  	[sflag:s4] =	ssyncset.done $0x0  }
0xe1: {  	[sflag:s4] =	ssyncadd.s32 $0xFFFFC000  }
0xe2: {  	_ =	swait.ge [sflag:s14], $0x4000  }
0xe3: {  	[sflag:s14] =	ssyncset.done $0x0  }
0xe4: {  	[sflag:s14] =	ssyncadd.s32 $0xFFFFC000  }
0xe5: {  	[spmem:s2] =	stream.indirect.scatter.add.f32 [tilespmem:s10], [sflag:$0x7], $0x10, s21, s7, $0xb8;
	[tilespmem:$0x1B800] =	vst v63  }
0xe6: {  	_ =	swait.ge [sflag:s4], $0x4000  }
0xe7: {  	[sflag:s4] =	ssyncset.done $0x0  }
0xe8: {  	p1 =	sne.s32 s1, $0x1;
	[sflag:s4] =	ssyncadd.s32 $0xFFFFC000  }
.Ltmp2:
0xe9: {  	[bflag:$0x0] =	sbarrier.arrive $0xFFFF;
	(pc) =	sbr.rel @p1 .LBB2_4-.Ltmp2, $4  }
0xea: {  	s17 =	rddreg [dreg:$0x6]  }
0xeb: {  	[hbm:s17@s19], [sflag:s3] =	dma.strided [spmem:s5@s9], $0x500, s6, $0x2   }
0xec: {  	_ =	swait.ge [sflag:s4], $0x500  }
0xed: {  	s1 =	sadd.s32 $0xFFFFFFFF, s1;
	s0 =	rddreg [dreg:$0x3];
	[sflag:s4] =	ssyncset.done $0x0  }
0xee: {  	s19 =	simm.s32 $0x3400  }
0xef: {  	s30 =	simm.s32 $0x2000;
	s29 =	simm.s32 $0x3800;
	s28 =	simm.s32 $0x3C00  }
0xf0: {  	s26 =	simm.s32 $0x2400;
	s25 =	simm.s32 $0x4000;
	s24 =	simm.s32 $0x4400  }
0xf1: {  	s22 =	simm.s32 $0x4800;
	s21 =	simm.s32 $0x4C00;
	s17 =	stileid.u32  }
.LBB2_6:
0xf2: {  	[sflag:s4] =	ssyncadd.s32 @p0 $0xFFFFFB00  }
0xf3: {  	[spmem:s5], [sflag:s3] =	dma.local [hbm:s0], $0x500  }
0xf4: {  	_ =	swait.ge [sflag:s4], $0x500  }
0xf5: {  	[sflag:s4] =	ssyncset.done $0x0  }
0xf6: {  	[sflag:s4] =	ssyncadd.s32 $0xFFFFFB00  }
0xf7: {  	[bflag:$0x0] =	sbarrier.arrive $0xFFFF  }
0xf8: {  	s0 =	rddreg [dreg:$0x4]  }
0xf9: {  	[tilespmem:s23], [sflag:$0x1] =	stream.linear.gather [hbm4b:s0+s23], $0x2800, $0x38;
	[tilespmem:$0x1B800] =	vst v63  }
0xfa: {  	s1 =	rddreg [dreg:$0x5]  }
0xfb: {  	[tilespmem:s31], [sflag:$0x1] =	stream.linear.gather [hbm4b:s1+s23], $0x2800, $0x38;
	[tilespmem:$0x1B800] =	vst v63  }
0xfc: {  	_ =	swait.ge [sflag:s6], $0x2800  }
0xfd: {  	[sflag:s6] =	ssyncset.done $0x0  }
0xfe: {  	[sflag:s6] =	ssyncadd.s32 $0xFFFFD800  }
0xff: {  	_ =	swait.ge [sflag:s6], $0x2800  }
0x100: {  	[sflag:s6] =	ssyncset.done $0x0  }
0x101: {  	[sflag:s6] =	ssyncadd.s32 $0xFFFFD800  }
0x102: {  	[tilespmem:s15], [sflag:$0x2] =	stream.indirect.gather [hbm4b:s8+s7], $0x10, s23, s7, $0xb8;
	[tilespmem:$0x1B800] =	vst v63  }
0x103: {  	_ = 	snop  }
0x104: {  	[tilespmem:s13], [sflag:$0x3] =	stream.indirect.gather [hbm4b:s8+s7], $0x10, s7, s7, $0xb8;
	[tilespmem:$0x1B800] =	vst v63  }
0x105: {  	s23 =	rddreg [dreg:$0x7]  }
0x106: {  	[tilespmem:s12], [sflag:$0x4] =	stream.indirect.gather [hbm4b:s8+s7], $0x10, s23, s7, $0xb8;
	[tilespmem:$0x1B800] =	vst v63  }
0x107: {  	s1 =	rddreg [dreg:$0x8]  }
0x108: {  	[tilespmem:s11], [sflag:$0x5] =	stream.indirect.gather [hbm4b:s8+s7], $0x10, s1, s7, $0xb8;
	[tilespmem:$0x1B800] =	vst v63  }
0x109: {  	s23 =	rddreg [dreg:$0x9]  }
0x10a: {  	[tilespmem:s10], [sflag:$0x6] =	stream.indirect.gather [hbm4b:s8+s7], $0x10, s23, s7, $0xb8;
	[tilespmem:$0x1B800] =	vst v63  }
0x10b: {  	_ =	swait.ge [sflag:s9], $0x4000  }
0x10c: {  	[sflag:s9] =	ssyncset.done $0x0  }
0x10d: {  	[sflag:s9] =	ssyncadd.s32 $0xFFFFC000  }
0x10e: {  	[spmem:s2] =	stream.indirect.scatter.add.f32 [tilespmem:s15], [sflag:$0x7], $0x10, s31, s7, $0xb8;
	[tilespmem:$0x1B800] =	vst v63  }
0x10f: {  	_ =	swait.ge [sflag:s4], $0x4000  }
0x110: {  	[sflag:s4] =	ssyncset.done $0x0  }
0x111: {  	s1 =	rddreg [dreg:$0xa];
	[sflag:s4] =	ssyncadd.s32 $0xFFFFC000  }
0x112: {  	[tilespmem:s15], [sflag:$0x2] =	stream.indirect.gather [hbm4b:s8+s7], $0x10, s1, s7, $0xb8;
	[tilespmem:$0x1B800] =	vst v63  }
0x113: {  	_ =	swait.ge [sflag:s20], $0x4000  }
0x114: {  	[sflag:s20] =	ssyncset.done $0x0  }
0x115: {  	s23 =	rddreg [dreg:$0xb];
	[sflag:s20] =	ssyncadd.s32 $0xFFFFC000  }
0x116: {  	[spmem:s2] =	stream.indirect.scatter.add.f32 [tilespmem:s13], [sflag:$0x7], $0x10, s23, s7, $0xb8;
	[tilespmem:$0x1B800] =	vst v63  }
0x117: {  	_ =	swait.ge [sflag:s4], $0x4000  }
0x118: {  	[sflag:s4] =	ssyncset.done $0x0  }
0x119: {  	s31 =	rddreg [dreg:$0xc];
	[sflag:s4] =	ssyncadd.s32 $0xFFFFC000  }
0x11a: {  	[tilespmem:s13], [sflag:$0x3] =	stream.indirect.gather [hbm4b:s8+s7], $0x10, s31, s7, $0xb8;
	[tilespmem:$0x1B800] =	vst v63  }
0x11b: {  	_ =	swait.ge [sflag:s18], $0x4000  }
0x11c: {  	[sflag:s18] =	ssyncset.done $0x0  }
0x11d: {  	s1 =	rddreg [dreg:$0xd];
	[sflag:s18] =	ssyncadd.s32 $0xFFFFC000  }
0x11e: {  	[spmem:s2] =	stream.indirect.scatter.add.f32 [tilespmem:s12], [sflag:$0x7], $0x10, s1, s7, $0xb8;
	[tilespmem:$0x1B800] =	vst v63  }
0x11f: {  	_ =	swait.ge [sflag:s4], $0x4000  }
0x120: {  	[sflag:s4] =	ssyncset.done $0x0  }
0x121: {  	s23 =	rddreg [dreg:$0xe];
	[sflag:s4] =	ssyncadd.s32 $0xFFFFC000  }
0x122: {  	[tilespmem:s12], [sflag:$0x4] =	stream.indirect.gather [hbm4b:s8+s7], $0x10, s23, s7, $0xb8;
	[tilespmem:$0x1B800] =	vst v63  }
0x123: {  	_ =	swait.ge [sflag:s16], $0x4000  }
0x124: {  	[sflag:s16] =	ssyncset.done $0x0  }
0x125: {  	[sflag:s16] =	ssyncadd.s32 $0xFFFFC000  }
0x126: {  	[spmem:s2] =	stream.indirect.scatter.add.f32 [tilespmem:s11], [sflag:$0x7], $0x10, s19, s7, $0xb8;
	[tilespmem:$0x1B800] =	vst v63  }
0x127: {  	_ =	swait.ge [sflag:s4], $0x4000  }
0x128: {  	[sflag:s4] =	ssyncset.done $0x0  }
0x129: {  	[sflag:s4] =	ssyncadd.s32 $0xFFFFC000  }
0x12a: {  	[tilespmem:s11], [sflag:$0x5] =	stream.indirect.gather [hbm4b:s8+s7], $0x10, s30, s7, $0xb8;
	[tilespmem:$0x1B800] =	vst v63  }
0x12b: {  	_ =	swait.ge [sflag:s14], $0x4000  }
0x12c: {  	[sflag:s14] =	ssyncset.done $0x0  }
0x12d: {  	[sflag:s14] =	ssyncadd.s32 $0xFFFFC000  }
0x12e: {  	[spmem:s2] =	stream.indirect.scatter.add.f32 [tilespmem:s10], [sflag:$0x7], $0x10, s29, s7, $0xb8;
	[tilespmem:$0x1B800] =	vst v63  }
0x12f: {  	_ =	swait.ge [sflag:s4], $0x4000  }
0x130: {  	[sflag:s4] =	ssyncset.done $0x0  }
0x131: {  	[sflag:s4] =	ssyncadd.s32 $0xFFFFC000  }
0x132: {  	[tilespmem:s10], [sflag:$0x6] =	stream.indirect.gather [hbm4b:s8+s7], $0x10, s26, s7, $0xb8;
	[tilespmem:$0x1B800] =	vst v63  }
0x133: {  	_ =	swait.ge [sflag:s9], $0x4000  }
0x134: {  	[sflag:s9] =	ssyncset.done $0x0  }
0x135: {  	[sflag:s9] =	ssyncadd.s32 $0xFFFFC000  }
0x136: {  	[spmem:s2] =	stream.indirect.scatter.add.f32 [tilespmem:s15], [sflag:$0x7], $0x10, s28, s7, $0xb8;
	[tilespmem:$0x1B800] =	vst v63  }
0x137: {  	_ =	swait.ge [sflag:s4], $0x4000  }
0x138: {  	[sflag:s4] =	ssyncset.done $0x0  }
0x139: {  	[sflag:s4] =	ssyncadd.s32 $0xFFFFC000  }
0x13a: {  	_ =	swait.ge [sflag:s20], $0x4000  }
0x13b: {  	[sflag:s20] =	ssyncset.done $0x0  }
0x13c: {  	[sflag:s20] =	ssyncadd.s32 $0xFFFFC000  }
0x13d: {  	[spmem:s2] =	stream.indirect.scatter.add.f32 [tilespmem:s13], [sflag:$0x7], $0x10, s25, s7, $0xb8;
	[tilespmem:$0x1B800] =	vst v63  }
0x13e: {  	_ =	swait.ge [sflag:s4], $0x4000  }
0x13f: {  	[sflag:s4] =	ssyncset.done $0x0  }
0x140: {  	[sflag:s4] =	ssyncadd.s32 $0xFFFFC000  }
0x141: {  	_ =	swait.ge [sflag:s18], $0x4000  }
0x142: {  	[sflag:s18] =	ssyncset.done $0x0  }
0x143: {  	[sflag:s18] =	ssyncadd.s32 $0xFFFFC000  }
0x144: {  	[spmem:s2] =	stream.indirect.scatter.add.f32 [tilespmem:s12], [sflag:$0x7], $0x10, s24, s7, $0xb8;
	[tilespmem:$0x1B800] =	vst v63  }
0x145: {  	_ =	swait.ge [sflag:s4], $0x4000  }
0x146: {  	[sflag:s4] =	ssyncset.done $0x0  }
0x147: {  	[sflag:s4] =	ssyncadd.s32 $0xFFFFC000  }
0x148: {  	_ =	swait.ge [sflag:s16], $0x4000  }
0x149: {  	[sflag:s16] =	ssyncset.done $0x0  }
0x14a: {  	[sflag:s16] =	ssyncadd.s32 $0xFFFFC000  }
0x14b: {  	[spmem:s2] =	stream.indirect.scatter.add.f32 [tilespmem:s11], [sflag:$0x7], $0x10, s22, s7, $0xb8;
	[tilespmem:$0x1B800] =	vst v63  }
0x14c: {  	_ =	swait.ge [sflag:s4], $0x4000  }
0x14d: {  	[sflag:s4] =	ssyncset.done $0x0  }
0x14e: {  	[sflag:s4] =	ssyncadd.s32 $0xFFFFC000  }
0x14f: {  	_ =	swait.ge [sflag:s14], $0x4000  }
0x150: {  	[sflag:s14] =	ssyncset.done $0x0  }
0x151: {  	[sflag:s14] =	ssyncadd.s32 $0xFFFFC000  }
0x152: {  	[spmem:s2] =	stream.indirect.scatter.add.f32 [tilespmem:s10], [sflag:$0x7], $0x10, s21, s7, $0xb8;
	[tilespmem:$0x1B800] =	vst v63  }
0x153: {  	_ =	swait.ge [sflag:s4], $0x4000  }
0x154: {  	[sflag:s4] =	ssyncset.done $0x0  }
0x155: {  	[sflag:s4] =	ssyncadd.s32 $0xFFFFC000  }
0x156: {  	[bflag:$0x0] =	sbarrier.arrive $0xFFFF  }
0x157: {  	s31 =	simm.s32 $0x10;
	s30 =	rddreg [dreg:$0x6]  }
0x158: {  	[hbm:s30@s31], [sflag:s3] =	dma.strided [spmem:s5@s9], $0x500, s6, $0x2   }
0x159: {  	_ =	swait.ge [sflag:s4], $0x500  }
0x15a: {  	[sflag:s4] =	ssyncset.done $0x0  }
0x15b: {  	[sflag:s4] =	ssyncadd.s32 $0xFFFFFB00  }
0x15c: {  	_ =	sfence.sel $0x180000  }
0x15d: {  	[bflag:$0x0] =	sbarrier.arrive $0xFFFF  }
0x15e: {  	_ =	strace $0x9000004D  }
0x15f: {  	[bflag:$0x2] =	sbarrier.arrive $0xFFFF  }
0x160: {  	p0 =	sne.s32 s17, $0x0;
	s0 =	rddreg [dreg:$0x2]  }
0x161: {  	s0 =	sadd.s32 @!p0 $0x100000, s0  }
0x162: {  	[sflag:s0] =	ssyncadd.tile.s32 @!p0 $0x1;
	_ =	shalt  }
.LBB2_1:
.Ltmp3:
0x163: {  	(pc) =	sbr.rel .LBB2_6-.Ltmp3, $4  }
0x164: {  	_ = 	snop  }
0x165: {  	s19 =	simm.s32 $0x3400;
	s30 =	simm.s32 $0x2000;
	s29 =	simm.s32 $0x3800  }
0x166: {  	s28 =	simm.s32 $0x3C00;
	s26 =	simm.s32 $0x2400;
	s25 =	simm.s32 $0x4000  }
0x167: {  	s24 =	simm.s32 $0x4400;
	s22 =	simm.s32 $0x4800;
	s21 =	simm.s32 $0x4C00  }
.LBB2_3:
.Ltmp4:
0x168: {  	(pc) =	sbr.rel .LBB2_6-.Ltmp4, $4  }
0x169: {  	s19 =	simm.s32 $0x3400  }
0x16a: {  	s30 =	simm.s32 $0x2000;
	s29 =	simm.s32 $0x3800;
	s28 =	simm.s32 $0x3C00  }
0x16b: {  	s26 =	simm.s32 $0x2400;
	s25 =	simm.s32 $0x4000;
	s24 =	simm.s32 $0x4400  }
0x16c: {  	s22 =	simm.s32 $0x4800;
	s21 =	simm.s32 $0x4C00;
	s17 =	stileid.u32  }
.Lfunc_end2:
_tile_overlayer_lowered:
.L_overlay_start_2:
0x16d: {  	(tag) =	ssettag $0x2  }
0x16e: {  	s0 =	rddreg [dreg:$0x0];
	s2 =	stileid.u32  }
0x16f: {  	s1 =	rddreg [dreg:$0x1];
	p0 =	sne.s32 s2, $0x0  }
0x170: {  	s3 =	rddreg [dreg:$0x2];
	[bflag:$0x3] =	sbarrier.arrive $0xFFFF;
	s2 =	simm.s32 @!p0 $0x1C07  }
0x171: {  	[timem:s3], [sflag:s2] =	dma.local @!p0 [hbm:s0], s1  }
0x172: {  	s0 =	simm.s32 @!p0 $0x7  }
0x173: {  	_ =	swait.ge @!p0 [sflag:s0], s1  }
0x174: {  	s1 =	ssub.s32 @!p0 $0x0, s1;
	[sflag:s0] =	ssyncset.done @!p0 $0x0  }
0x175: {  	[sflag:s0] =	ssyncadd.s32 @!p0 s1  }
0x176: {  	[bflag:$0x3] =	sbarrier.arrive $0xFFFF  }
0x177: {  	_ =	shalt  }

// kernel: kernel.9.cloned.1.call-start
scs
__scs_entry_jumppad:
0x0: {  	(pc) =	sbr.rel $0x88, $3  }
0x1: {  	(tag) =	ssettag $0x0;
	lr =	simm.s32 $0x1  }
0x2: {  	[smem:$0x3F9B] =	sst lr;
	_ =	strace $0xD0000000  }
0x3: {  	_ = 	snop  }
0x4: {  	_ = 	snop  }
0x5: {  	_ = 	snop  }
0x6: {  	_ = 	snop  }
0x7: {  	_ = 	snop  }
__scs_overlays_trampoline_lowered:
0x8: {  	[smem:$0x3FAA] =	sst s0  }
0x9: {  	[smem:$0x3FAB] =	sst s1  }
0xa: {  	[smem:$0x3FAC] =	sst s2  }
0xb: {  	[smem:$0x3FAD] =	sst s3  }
0xc: {  	[smem:$0x3FAE] =	sst s4  }
0xd: {  	[smem:$0x3FAF] =	sst s5  }
0xe: {  	[smem:$0x3FB0] =	sst s6  }
0xf: {  	[smem:$0x3FB1] =	sst s7  }
0x10: {  	[smem:$0x3FB2] =	sst s8  }
0x11: {  	[smem:$0x3FB3] =	sst s9;
	s0 =	simm.s32 @!p0 $0x0  }
0x12: {  	s1 =	sld [smem:$0x3F99];
	s0 =	simm.s32 @p0 $0x1  }
0x13: {  	[smem:$0x3FB4] =	sst s0;
	s0 =	simm.s32 @!p1 $0x0  }
0x14: {  	s2 =	sld [smem:$0x3F98];
	s0 =	simm.s32 @p1 $0x1  }
0x15: {  	[smem:$0x3FB5] =	sst s0;
	s0 =	simm.s32 @!p2 $0x0  }
0x16: {  	s3 =	sld [smem:$0x3FDB];
	s0 =	simm.s32 @p2 $0x1  }
0x17: {  	s4 =	simm.s32 $0x1BF5;
	[smem:$0x3FB7] =	sst s0  }
0x18: {  	s0 =	sld [smem:$0x3F9A];
	_ =	swait.ge [sflag:s4], $0x0  }
0x19: {  	s7 =	sld [smem:$0x3F9B]  }
0x1a: {  	s8 =	sadd.s32 $0xFFFFE003, lr  }
0x1b: {  	s9 =	sadd.s32 $0xFFFFFEF7, lr;
	s5 =	simm.s32 $0xFFFFFFFF;
	p2 =	slt.u32 s8, $0xFFFFF086  }
0x1c: {  	p1 =	slt.u32 s9, $0xF7A;
	s5 =	simm.s32 @!p2 $0x0  }
0x1d: {  	s5 =	simm.s32 @p1 $0x1;
	p0 =	seq.s32 s7, s2  }
0x1e: {  	s7 =	smul.u32 @!p0 $0xF7A, s2;
	p2 =	seq.s32 @!p0 s5, $0x0  }
0x1f: {  	s9 =	smul.u32 $0xF7A, s1;
	s8 =	simm.s32 @!p0 $0x1BF5;
	p2 =	por !p2, p0  }
0x20: {  	[sflag:s8] =	ssyncset.s32 @!p0 $0xFFFFF086;
	s6 =	sadd.s32 @!p0 s3, s7;
	s7 =	simm.s32 @!p0 $0x108  }
0x21: {  	s3 =	sadd.s32 s3, s9;
	s6 =	sadd.s32 @!p0 $0x88, s6;
	s7 =	simm.s32 @p2 $0x1082  }
0x22: {  	[simem:s7], [sflag:s8] =	dma.local @!p0 [hbm:s6], $0xF7A  }
0x23: {  	s9 =	sor.u32 $0xD0000000, s2;
	s6 =	simm.s32 $0x108;
	_ =	swait.ge @!p0 [sflag:s8], $0x0  }
0x24: {  	s3 =	sadd.s32 $0x88, s3;
	s6 =	simm.s32 @!p1 $0x1082;
	[sflag:s4] =	ssyncset.s32 $0xFFFFF086  }
0x25: {  	[simem:s6], [sflag:s4] =	dma.local [hbm:s3], $0xF7A  }
0x26: {  	[smem:$0x3F9B] =	sst s1;
	(tag) =	ssettag s2;
	_ =	strace s9  }
0x27: {  	s1 =	sld [smem:$0x3FAB]  }
0x28: {  	s2 =	sld [smem:$0x3FAC]  }
0x29: {  	s4 =	sld [smem:$0x3FAE]  }
0x2a: {  	p0 =	seq.s32 s5, $0x0;
	s5 =	sld [smem:$0x3FAF]  }
0x2b: {  	s6 =	sld [smem:$0x3FB0]  }
0x2c: {  	s7 =	sld [smem:$0x3FB1]  }
0x2d: {  	s3 =	simm.s32 $0x108;
	s8 =	sld [smem:$0x3FB2]  }
0x2e: {  	s3 =	simm.s32 @!p0 $0x1082;
	s9 =	sld [smem:$0x3FB3]  }
0x2f: {  	lr =	sadd.s32 s0, s3;
	s0 =	sld [smem:$0x3FAA]  }
0x30: {  	s3 =	sld [smem:$0x3FAD]  }
0x31: {  	[smem:$0x3FB6] =	sst s10  }
0x32: {  	s10 =	sld [smem:$0x3FB4];
	_ =	sdelay $0x3  }
0x33: {  	p0 =	seq.s32 s10, $0x1;
	s10 =	sld [smem:$0x3FB6];
	_ =	sdelay $0x3  }
0x34: {  	[smem:$0x3FB6] =	sst s10  }
0x35: {  	s10 =	sld [smem:$0x3FB5];
	_ =	sdelay $0x3  }
0x36: {  	p1 =	seq.s32 s10, $0x1;
	s10 =	sld [smem:$0x3FB6];
	_ =	sdelay $0x3  }
0x37: {  	[smem:$0x3FB6] =	sst s10  }
0x38: {  	s10 =	sld [smem:$0x3FB7]  }
0x39: {  	_ = 	snop;
	(pc) =	sbr.ind lr, $3  }
0x3a: {  	_ = 	snop  }
0x3b: {  	_ = 	snop  }
0x3c: {  	p2 =	seq.s32 s10, $0x1;
	s10 =	sld [smem:$0x3FB6]  }
0x3d: {  	_ =	shalt  }
0x3e: {  	_ =	shalt  }
0x3f: {  	_ =	shalt  }
0x40: {  	_ =	shalt  }
0x41: {  	_ =	shalt  }
0x42: {  	_ =	shalt  }
0x43: {  	_ =	shalt  }
0x44: {  	_ =	shalt  }
0x45: {  	_ =	shalt  }
0x46: {  	_ =	shalt  }
0x47: {  	_ =	shalt  }
0x48: {  	_ =	shalt  }
0x49: {  	_ =	shalt  }
0x4a: {  	_ =	shalt  }
0x4b: {  	_ =	shalt  }
0x4c: {  	_ =	shalt  }
0x4d: {  	_ =	shalt  }
0x4e: {  	_ =	shalt  }
0x4f: {  	_ =	shalt  }
0x50: {  	_ =	shalt  }
0x51: {  	_ =	shalt  }
0x52: {  	_ =	shalt  }
0x53: {  	_ =	shalt  }
0x54: {  	_ =	shalt  }
0x55: {  	_ =	shalt  }
0x56: {  	_ =	shalt  }
0x57: {  	_ =	shalt  }
0x58: {  	_ =	shalt  }
0x59: {  	_ =	shalt  }
0x5a: {  	_ =	shalt  }
0x5b: {  	_ =	shalt  }
0x5c: {  	_ =	shalt  }
0x5d: {  	_ =	shalt  }
0x5e: {  	_ =	shalt  }
0x5f: {  	_ =	shalt  }
0x60: {  	_ =	shalt  }
0x61: {  	_ =	shalt  }
0x62: {  	_ =	shalt  }
0x63: {  	_ =	shalt  }
0x64: {  	_ =	shalt  }
0x65: {  	_ =	shalt  }
0x66: {  	_ =	shalt  }
0x67: {  	_ =	shalt  }
0x68: {  	_ =	shalt  }
0x69: {  	_ =	shalt  }
0x6a: {  	_ =	shalt  }
0x6b: {  	_ =	shalt  }
0x6c: {  	_ =	shalt  }
0x6d: {  	_ =	shalt  }
0x6e: {  	_ =	shalt  }
0x6f: {  	_ =	shalt  }
0x70: {  	_ =	shalt  }
0x71: {  	_ =	shalt  }
0x72: {  	_ =	shalt  }
0x73: {  	_ =	shalt  }
0x74: {  	_ =	shalt  }
0x75: {  	_ =	shalt  }
0x76: {  	_ =	shalt  }
0x77: {  	_ =	shalt  }
0x78: {  	_ =	shalt  }
0x79: {  	_ =	shalt  }
0x7a: {  	_ =	shalt  }
0x7b: {  	_ =	shalt  }
0x7c: {  	_ =	shalt  }
0x7d: {  	_ =	shalt  }
0x7e: {  	_ =	shalt  }
0x7f: {  	_ =	shalt  }
0x80: {  	_ =	shalt  }
0x81: {  	_ =	shalt  }
0x82: {  	_ =	shalt  }
0x83: {  	_ =	shalt  }
0x84: {  	_ =	shalt  }
0x85: {  	_ =	shalt  }
0x86: {  	_ =	shalt  }
0x87: {  	_ =	shalt  }
.Lfunc_end0:
.L_simem_size_0:
called_computation_lowered:
.L_overlay_start_0:
0x88: {  	s2 =	sld [smem:$0x3FD9]  }
0x89: {  	s3 =	sld [smem:$0x3FFE];
	_ =	sdelay $0x1  }
0x8a: {  	s1 =	srdreg.scid  }
0x8b: {  	s0 =	sand.u32 $0x1, s1  }
0x8c: {  	s17 =	sshll.u32 s0, $0xA;
	s2 =	sadd.s32 s3, s2  }
0x8d: {  	s2 =	sadd.s32 s2, s17  }
0x8e: {  	[smem:$0x3FC2] =	sst s2  }
0x8f: {  	_ = 	snop  }
0x90: {  	s2 =	sld [smem:$0x3FD0];
	(tm) =	ssettm $0x1  }
0x91: {  	s18 =	sld [smem:$0x3FFB];
	_ =	sdelay $0x3  }
0x92: {  	_ =	strace s18  }
0x93: {  	s3 =	sld [smem:$0x3FFC];
	_ =	sdelay $0x3  }
0x94: {  	_ =	strace s3  }
0x95: {  	s3 =	sld [smem:$0x3FFD];
	_ =	sdelay $0x3  }
0x96: {  	_ =	strace s3  }
0x97: {  	_ =	strace $0x8FFFFFFF  }
0x98: {  	s19 =	sld [smem:$0x3FDB];
	_ =	sdelay $0x1  }
0x99: {  	s4 =	simm.s32 $_scs_section_size  }
0x9a: {  	s5 =	simm.s32 $_size__tile_overlayer_lowered;
	s6 =	simm.s32 $_tile_overlayer_lowered  }
0x9b: {  	s22 =	simm.s32 $0x1BFF;
	s21 =	sshll.u32 s6, $0x1;
	s3 =	sadd.s32 s4, s19  }
0x9c: {  	s7 =	simm.s32 $0x0;
	s20 =	sshll.u32 s5, $0x1;
	s5 =	sadd.s32 s21, s3  }
0x9d: {  	[timem:s7], [sflag:s22] =	dma.local [hbm:s5], s20  }
0x9e: {  	_ =	swait.ge [sflag:s22], s20  }
0x9f: {  	s4 =	ssub.s32 $0x0, s20;
	[sflag:s22] =	ssyncset.done $0x0  }
0xa0: {  	[sflag:s22] =	ssyncadd.s32 s4;
	_ =	sdelay $0x1  }
0xa1: {  	s23 =	simm.s32 $0x1B8B  }
0xa2: {  	_ =	swait.ge [sflag:s23], $0x1  }
0xa3: {  	[sflag:s23] =	ssyncset.done $0x0  }
0xa4: {  	s25 =	simm.s32 $0x1B8E;
	s24 =	sld [smem:$0x3FFE];
	[sflag:s23] =	ssyncadd.s32 $0xFFFFFFFF  }
0xa5: {  	s26 =	simm.s32 $execute0_lowered;
	[smem:$0x3FD2] =	sst s25  }
0xa6: {  	s5 =	sshll.u32 s26, $0x1;
	_ =	strace $0x80000046;
	[dreg:$0x1] =	wrdreg $0xFFFFFFFF  }
0xa7: {  	s28 =	simm.s32 $_size_execute0_lowered;
	s3 =	sadd.s32 s3, s5;
	[dreg:$0x0] =	wrdreg $0x0  }
0xa8: {  	s5 =	sshll.u32 s28, $0x1;
	[dreg:$0x2] =	wrdreg s3  }
0xa9: {  	[dreg:$0x3] =	wrdreg s5  }
0xaa: {  	[dreg:$0x4] =	wrdreg $0xC0  }
0xab: {  	_ =	task [dreg:s7], $0x5FFFF  }
0xac: {  	[dreg:$0x1] =	wrdreg $0xFFFFFFFF  }
0xad: {  	[dreg:$0x0] =	wrdreg $0x60  }
0xae: {  	[dreg:$0x2] =	wrdreg s24  }
0xaf: {  	[dreg:$0x3] =	wrdreg s2  }
0xb0: {  	[dreg:$0x4] =	wrdreg $0x2C000  }
0xb1: {  	[dreg:$0x5] =	wrdreg $0x9  }
0xb2: {  	_ =	task.clear_ibuf [dreg:s7], $0x6FFFF;
	_ =	strace $0x90000046  }
0xb3: {  	s29 =	simm.s32 $0x9;
	_ =	strace $0x80000048  }
0xb4: {  	_ =	swait.ge [sflag:s29], $0x1  }
0xb5: {  	[sflag:s29] =	ssyncadd.s32 $0xFFFFFFFF  }
0xb6: {  	_ =	strace $0x90000048  }
0xb7: {  	_ =	sfence  }
0xb8: {  	s30 =	sld [smem:$0x0];
	_ =	sdelay $0x2  }
0xb9: {  	s31 =	sshll.u32 s1, $0xD;
	s1 =	sshrl.u32 s1, $0x2  }
0xba: {  	s3 =	sand.u32 $0x4000, s31;
	s1 =	sadd.s32 s1, s30  }
0xbb: {  	s0 =	sor.u32 s3, s0;
	s1 =	sshll.u32 s1, $0x11  }
0xbc: {  	s0 =	sor.u32 s1, s0  }
0xbd: {  	s0 =	sadd.s32 $0x8F2B, s0  }
0xbe: {  	[sflag:s0] =	ssyncadd.remote.s32 $0x1  }
0xbf: {  	_ =	sfence.sel $0xFFFF  }
0xc0: {  	[dreg:$0x0] =	wrdreg $0xFFFFFFFF;
	(pc) =	sbr.abs _section_cstart, $3  }
0xc1: {  	[dreg:$0x1] =	wrdreg $0xFFFFFFFF  }
0xc2: {  	_ =	task.clear_ibuf [dreg:s7], $0x2FFFF;
	_ =	strace $0x9FFFFFFF  }
0xc3: {  	(tm) =	ssettm $0x7FFFFFFF  }
tec
execute0_lowered:
.L_overlay_start_1:
0x0: {  	(tag) =	ssettag $0x1  }
0x1: {  	s5 =	rddreg [dreg:$0x0]  }
0x2: {  	s7 =	rddreg [dreg:$0x1]  }
0x3: {  	s2 =	rddreg [dreg:$0x2]  }
0x4: {  	s0 =	rddreg [dreg:$0x3]  }
0x5: {  	s1 =	stileid.u32;
	s4 =	srdreg.scid  }
0x6: {  	s3 =	simm.s32 $0x0;
	s13 =	simm.s32 $0x2800;
	s14 =	simm.s32 $0x800  }
0x7: {  	s15 =	simm.s32 $0xC00;
	s16 =	simm.s32 $0x1000;
	s17 =	simm.s32 $0x1400  }
0x8: {  	s18 =	simm.s32 $0x1800;
	s19 =	simm.s32 $0x1C00;
	s20 =	simm.s32 $0x2000  }
0x9: {  	s21 =	simm.s32 $0x2400;
	s22 =	simm.s32 $0x0;
	s4 =	sand.u32 $0x1, s4  }
0xa: {  	s6 =	sshll.u32 s1, $0x1;
	[smem:$0x7FF] =	sst s3;
	s8 =	smul.u32 $0x280, s1  }
0xb: {  	s31 =	sshll.u32 s1, $0x6;
	s6 =	sor.u32 s4, s6;
	s12 =	smul.u32 $0x2800, s4  }
0xc: {  	_ =	strace $0x80000047;
	s9 =	ssub.s32 $0x2, s4;
	s6 =	smul.u32 $0x2800, s6  }
0xd: {  	s10 =	sshrl.u32 s8, $0x3;
	s11 =	sshrl.u32 s9, $0x1;
	s30 =	sadd.s32 s8, s2  }
0xe: {  	s29 =	sadd.s32 s10, s5;
	s9 =	ssub.s32 s9, s11;
	s8 =	sadd.s32 s8, s12  }
0xf: {  	s10 =	simm.s32 $0x2;
	s11 =	simm.s32 $0x1;
	s12 =	simm.s32 $0x400  }
0x10: {  	s4 =	sadd.s32 $0x16E00, s29;
	s6 =	sshrl.u32 s6, $0x3;
	s8 =	sshrl.u32 s8, $0x3  }
0x11: {  	s6 =	sadd.s32 s5, s6;
	s5 =	sor.u32 $0x1C02, s31;
	s7 =	sadd.s32 s7, s8  }
0x12: {  	v0 =	vimm.f32 $1.000000000e+00;
	s8 =	smax.u32 s9, $0x1;
	s9 =	sshrl.u32 s30, $0x3;
	s6 =	sadd.s32 $0xCE00, s6  }
.LBB2_1:
0x13: {  	s23 =	simm.s32 $0x40;
	s24 =	simm.s32 $0x0  }
.LBB2_2:
0x14: {  	p0 =	sne.s32 s23, $0xFC0;
	[tilespmem:s24+$0x2800] =	vst v0;
	s24 =	smov.u32 s23;
	s23 =	sadd.s32 $0x40, s23  }
.Ltmp0:
0x15: {  	(pc) =	sbr.rel @p0 .LBB2_2-.Ltmp0, $2  }
0x16: {  	_ =	sdelay $0x2  }
0x17: {  	s24 =	sshra.s32 s24, $0x2  }
0x18: {  	[tilespmem:s24+$0x2800] =	vst v0  }
0x19: {  	[spmem:s9], [sflag:s5] =	dma.local [hbm:s4], $0x50  }
0x1a: {  	_ =	swait.ge [sflag:s10], $0x50  }
0x1b: {  	[sflag:s10] =	ssyncset.done $0x0  }
0x1c: {  	[sflag:s10] =	ssyncadd.s32 $0xFFFFFFB0  }
0x1d: {  	[bflag:$0x0] =	sbarrier.arrive $0xFFFF  }
0x1e: {  	[tilespmem:s3], [sflag:$0x1] =	stream.linear.gather [hbm4b:s6+s3], $0x2800, $0x38;
	[tilespmem:$0x2E80] =	vst v63  }
0x1f: {  	_ =	swait.ge [sflag:s11], $0x2800  }
0x20: {  	[sflag:s11] =	ssyncset.done $0x0  }
0x21: {  	[sflag:s11] =	ssyncadd.s32 $0xFFFFD800  }
0x22: {  	[spmem:s2] =	stream.indirect.scatter.add.f32 [tilespmem:s13], [sflag:$0x2], $0x1, s3, s12, $0xb8;
	[tilespmem:$0x2E80] =	vst v63  }
0x23: {  	_ =	swait.ge [sflag:s10], $0x400  }
0x24: {  	[sflag:s10] =	ssyncset.done $0x0  }
0x25: {  	[sflag:s10] =	ssyncadd.s32 $0xFFFFFC00  }
0x26: {  	[spmem:s2] =	stream.indirect.scatter.add.f32 [tilespmem:s13], [sflag:$0x2], $0x1, s12, s12, $0xb8;
	[tilespmem:$0x2E80] =	vst v63  }
0x27: {  	_ =	swait.ge [sflag:s10], $0x400  }
0x28: {  	[sflag:s10] =	ssyncset.done $0x0  }
0x29: {  	[sflag:s10] =	ssyncadd.s32 $0xFFFFFC00  }
0x2a: {  	[spmem:s2] =	stream.indirect.scatter.add.f32 [tilespmem:s13], [sflag:$0x2], $0x1, s14, s12, $0xb8;
	[tilespmem:$0x2E80] =	vst v63  }
0x2b: {  	_ =	swait.ge [sflag:s10], $0x400  }
0x2c: {  	[sflag:s10] =	ssyncset.done $0x0  }
0x2d: {  	[sflag:s10] =	ssyncadd.s32 $0xFFFFFC00  }
0x2e: {  	[spmem:s2] =	stream.indirect.scatter.add.f32 [tilespmem:s13], [sflag:$0x2], $0x1, s15, s12, $0xb8;
	[tilespmem:$0x2E80] =	vst v63  }
0x2f: {  	_ =	swait.ge [sflag:s10], $0x400  }
0x30: {  	[sflag:s10] =	ssyncset.done $0x0  }
0x31: {  	[sflag:s10] =	ssyncadd.s32 $0xFFFFFC00  }
0x32: {  	[spmem:s2] =	stream.indirect.scatter.add.f32 [tilespmem:s13], [sflag:$0x2], $0x1, s16, s12, $0xb8;
	[tilespmem:$0x2E80] =	vst v63  }
0x33: {  	_ =	swait.ge [sflag:s10], $0x400  }
0x34: {  	[sflag:s10] =	ssyncset.done $0x0  }
0x35: {  	[sflag:s10] =	ssyncadd.s32 $0xFFFFFC00  }
0x36: {  	[spmem:s2] =	stream.indirect.scatter.add.f32 [tilespmem:s13], [sflag:$0x2], $0x1, s17, s12, $0xb8;
	[tilespmem:$0x2E80] =	vst v63  }
0x37: {  	_ =	swait.ge [sflag:s10], $0x400  }
0x38: {  	[sflag:s10] =	ssyncset.done $0x0  }
0x39: {  	[sflag:s10] =	ssyncadd.s32 $0xFFFFFC00  }
0x3a: {  	[spmem:s2] =	stream.indirect.scatter.add.f32 [tilespmem:s13], [sflag:$0x2], $0x1, s18, s12, $0xb8;
	[tilespmem:$0x2E80] =	vst v63  }
0x3b: {  	_ =	swait.ge [sflag:s10], $0x400  }
0x3c: {  	[sflag:s10] =	ssyncset.done $0x0  }
0x3d: {  	[sflag:s10] =	ssyncadd.s32 $0xFFFFFC00  }
0x3e: {  	[spmem:s2] =	stream.indirect.scatter.add.f32 [tilespmem:s13], [sflag:$0x2], $0x1, s19, s12, $0xb8;
	[tilespmem:$0x2E80] =	vst v63  }
0x3f: {  	_ =	swait.ge [sflag:s10], $0x400  }
0x40: {  	[sflag:s10] =	ssyncset.done $0x0  }
0x41: {  	[sflag:s10] =	ssyncadd.s32 $0xFFFFFC00  }
0x42: {  	[spmem:s2] =	stream.indirect.scatter.add.f32 [tilespmem:s13], [sflag:$0x2], $0x1, s20, s12, $0xb8;
	[tilespmem:$0x2E80] =	vst v63  }
0x43: {  	_ =	swait.ge [sflag:s10], $0x400  }
0x44: {  	[sflag:s10] =	ssyncset.done $0x0  }
0x45: {  	[sflag:s10] =	ssyncadd.s32 $0xFFFFFC00  }
0x46: {  	[spmem:s2] =	stream.indirect.scatter.add.f32 [tilespmem:s13], [sflag:$0x2], $0x1, s21, s12, $0xb8;
	[tilespmem:$0x2E80] =	vst v63  }
0x47: {  	_ =	swait.ge [sflag:s10], $0x400  }
0x48: {  	s22 =	sadd.s32 $0x1, s22;
	[sflag:s10] =	ssyncset.done $0x0  }
0x49: {  	p0 =	sne.s32 s22, s8;
	[sflag:s10] =	ssyncadd.s32 $0xFFFFFC00  }
.Ltmp1:
0x4a: {  	[bflag:$0x0] =	sbarrier.arrive $0xFFFF;
	(pc) =	sbr.rel @p0 .LBB2_1-.Ltmp1, $4  }
0x4b: {  	[hbm:s7], [sflag:s5] =	dma.local [spmem:s9], $0x50  }
0x4c: {  	_ =	swait.ge [sflag:s10], $0x50  }
0x4d: {  	[sflag:s10] =	ssyncset.done $0x0  }
0x4e: {  	[sflag:s10] =	ssyncadd.s32 $0xFFFFFFB0  }
0x4f: {  	_ =	sfence.sel $0x180000  }
0x50: {  	[bflag:$0x0] =	sbarrier.arrive $0xFFFF  }
0x51: {  	p0 =	sne.s32 s1, $0x0;
	_ =	strace $0x90000047  }
0x52: {  	s0 =	sadd.s32 @!p0 $0x100000, s0;
	[bflag:$0x2] =	sbarrier.arrive $0xFFFF  }
0x53: {  	[sflag:s0] =	ssyncadd.tile.s32 @!p0 $0x1;
	_ =	shalt  }
.Lfunc_end2:
_tile_overlayer_lowered:
.L_overlay_start_2:
0x54: {  	(tag) =	ssettag $0x2  }
0x55: {  	s0 =	rddreg [dreg:$0x0];
	s2 =	stileid.u32  }
0x56: {  	s1 =	rddreg [dreg:$0x1];
	p0 =	sne.s32 s2, $0x0  }
0x57: {  	s3 =	rddreg [dreg:$0x2];
	[bflag:$0x3] =	sbarrier.arrive $0xFFFF;
	s2 =	simm.s32 @!p0 $0x1C02  }
0x58: {  	[timem:s3], [sflag:s2] =	dma.local @!p0 [hbm:s0], s1  }
0x59: {  	s0 =	simm.s32 @!p0 $0x2  }
0x5a: {  	_ =	swait.ge @!p0 [sflag:s0], s1  }
0x5b: {  	s1 =	ssub.s32 @!p0 $0x0, s1;
	[sflag:s0] =	ssyncset.done @!p0 $0x0  }
0x5c: {  	[sflag:s0] =	ssyncadd.s32 @!p0 s1  }
0x5d: {  	[bflag:$0x3] =	sbarrier.arrive $0xFFFF  }
0x5e: {  	_ =	shalt  }

</sc_bundles>
